<compile_context>
chip_gen: v7x
topology: tpu7x:2x2x1
jax: 0.10.2.dev20260603
libtpu: 0.0.44.dev20260713+nightly
codegen_flags: <defaults>
</compile_context>

<pallas_src>
import functools

import jax
import jax.numpy as jnp
import numpy as np
from jax import lax
from jax.experimental import pallas as pl
from jax.experimental.pallas import tpu as pltpu
from jax.experimental.pallas import tpu_sc as plsc

B = 4096
F = 26
V = 100000
D = 64
NF = F + 1
R = B * F

NC = 2
NS = 16
NW = NC * NS
LANES = 16
RPW = R // NW
CH = 128
NCHUNK = RPW // CH
NBUF = 4


def _make_sc_gather():
    mesh = plsc.VectorSubcoreMesh(core_axis_name="c", subcore_axis_name="s")

    @functools.partial(
        pl.kernel,
        out_type=jax.ShapeDtypeStruct((R, 2 * D), jnp.float32),
        mesh=mesh,
        scratch_types=[
            pltpu.VMEM((RPW,), jnp.int32),
            pltpu.VMEM((NCHUNK, CH), jnp.int32),
            pltpu.VMEM((NBUF, CH, D), jnp.float32),
            pltpu.SemaphoreType.DMA((NBUF,)),
        ],
        compiler_params=pltpu.CompilerParams(use_tc_tiling_on_sc=False),
    )
    def sc_gather(tab_hbm, idx_hbm, out_hbm, idx_raw, idx_adj, rows, sems):
        wid = lax.axis_index("s") * NC + lax.axis_index("c")
        base = wid * RPW
        pltpu.sync_copy(idx_hbm.at[pl.ds(base, RPW)], idx_raw)

        @pl.loop(0, NCHUNK)
        def _offsets(c):
            for j in range(CH // LANES):
                p0 = base + c * CH + j * LANES
                p_vec = jax.lax.iota(jnp.int32, LANES) + p0
                off = (p_vec % F) * V
                idx_adj[c, pl.ds(j * LANES, LANES)] = (
                    idx_raw[pl.ds(c * CH + j * LANES, LANES)] + off
                )

        def _gather(c, b):
            pltpu.async_copy(tab_hbm.at[idx_adj.at[c]], rows.at[b], sems.at[b])

        def _drain(c, b):
            pltpu.make_async_copy(tab_hbm.at[idx_adj.at[c]], rows.at[b], sems.at[b]).wait()
            pltpu.sync_copy(
                rows.at[b], out_hbm.at[pl.ds(base + c * CH, CH), pl.ds(0, D)]
            )

        for b in range(NBUF):
            _gather(b, b)

        @pl.loop(0, NCHUNK // NBUF)
        def _pipe(g):
            for b in range(NBUF):
                c = g * NBUF + b
                _drain(c, b)
                nxt = c + NBUF

                @pl.when(nxt < NCHUNK)
                def _():
                    _gather(nxt, b)

        rem = NCHUNK % NBUF
        for b in range(rem):
            _drain(NCHUNK - rem + b, b)

    return sc_gather


def _tc_body(
    x_ref,
    emb_ref,
    dw0,
    db0,
    dw1,
    db1,
    dw2,
    db2,
    ow0d,
    ow0e,
    ob0,
    ow1,
    ob1,
    ow2,
    ob2,
    ow3,
    ob3,
    out_ref,
):
    f32 = jnp.float32
    x = x_ref[...]
    h = jnp.maximum(jnp.dot(x, dw0[...], preferred_element_type=f32) + db0[...], 0.0)
    h = jnp.maximum(jnp.dot(h, dw1[...], preferred_element_type=f32) + db1[...], 0.0)
    ed = jnp.maximum(jnp.dot(h, dw2[...], preferred_element_type=f32) + db2[...], 0.0)
    bB = x.shape[0]
    emb = emb_ref[...].reshape(bB, F, 2 * D)[:, :, :D]
    c3 = jnp.concatenate([ed[:, None, :], emb], axis=1)
    g3 = jax.lax.dot_general(
        c3, c3, (((2,), (2,)), ((0,), (0,))), preferred_element_type=f32
    )
    g = g3.reshape(bB, NF * NF)
    y = jnp.dot(ed, ow0d[...], preferred_element_type=f32)
    y = y + jnp.dot(g, ow0e[...], preferred_element_type=f32)
    y = jnp.maximum(y + ob0[...], 0.0)
    y = jnp.maximum(jnp.dot(y, ow1[...], preferred_element_type=f32) + ob1[...], 0.0)
    y = jnp.maximum(jnp.dot(y, ow2[...], preferred_element_type=f32) + ob2[...], 0.0)
    out_ref[...] = jnp.dot(y, ow3[...], preferred_element_type=f32) + ob3[...]


def _full(shape):
    return pl.BlockSpec(shape, lambda i: (0, 0))


def _tc_forward(x, emb2, weights, bB):
    nb = B // bB
    in_specs = [
        pl.BlockSpec((bB, x.shape[1]), lambda i: (i, 0)),
        pl.BlockSpec((bB * F, 2 * D), lambda i: (i, 0)),
    ] + [_full(w.shape) for w in weights]
    return pl.pallas_call(
        _tc_body,
        grid=(nb,),
        in_specs=in_specs,
        out_specs=pl.BlockSpec((bB, 1), lambda i: (i, 0)),
        out_shape=jax.ShapeDtypeStruct((B, 1), jnp.float32),
    )(x, emb2, *weights)


def kernel(dense_features, sparse_indices, tables, dense_params, over_params):
    tables_flat = tables.reshape(F * V, D)
    sparse_indices = sparse_indices.astype(jnp.int32)
    idx1d = sparse_indices.reshape(R)
    emb2 = _make_sc_gather()(tables_flat, idx1d)

    (dw0, db0), (dw1, db1), (dw2, db2) = dense_params
    (ow0, ob0), (ow1, ob1), (ow2, ob2), (ow3, ob3) = over_params
    ti, tj = np.triu_indices(NF, k=1)
    ow0d = ow0[:D]
    ow0e = jnp.zeros((NF * NF, ow0.shape[1]), jnp.float32)
    ow0e = ow0e.at[ti * NF + tj].set(ow0[D:])
    weights = [
        dw0,
        db0.reshape(1, -1),
        dw1,
        db1.reshape(1, -1),
        dw2,
        db2.reshape(1, -1),
        ow0d,
        ow0e,
        ob0.reshape(1, -1),
        ow1,
        ob1.reshape(1, -1),
        ow2,
        ob2.reshape(1, -1),
        ow3,
        ob3.reshape(1, -1),
    ]
    return _tc_forward(dense_features, emb2, weights, bB=512)

# --- scband reference (transcript-rebuilt; emitter-appended) ---
"""Pipeline reference for scband-dlrm-36292473651204 (READ-ONLY COPY).

The authoritative reference and input builder live on the scoring server;
editing this copy changes nothing except your own understanding.
"""

import jax, jax.numpy as jnp
import numpy as np

B = 4096
F = 26
V = 100000
D = 64
DENSE_IN = 13
DENSE_LAYERS = [512, 256, 64]
OVER_LAYERS = [512, 512, 256, 1]
OVER_IN = D + (F * (F - 1)) // 2 + F  # embedding_dim + C(F,2) + F = 415


def setup_inputs(seed: int = 0) -> dict:
    key = jax.random.key(seed)
    ks = jax.random.split(key, 8)
    inp = {}
    inp["dense_features"] = jax.random.normal(ks[0], (B, DENSE_IN), dtype=jnp.float32)
    inp["sparse_indices"] = jax.random.randint(ks[1], (B, F), 0, V, dtype=jnp.int64 if jax.config.jax_enable_x64 else jnp.int32)
    # One embedding table per sparse feature, all same (V, D)
    inp["tables"] = jax.random.normal(ks[2], (F, V, D), dtype=jnp.float32) * 0.01
    # DenseArch MLP params (relu after every layer)
    dims = [DENSE_IN] + DENSE_LAYERS
    dense_params = []
    for i in range(len(DENSE_LAYERS)):
        kw = jax.random.fold_in(ks[3], i)
        W = jax.random.normal(kw, (dims[i], dims[i + 1]), dtype=jnp.float32) / np.sqrt(dims[i])
        b = jnp.zeros((dims[i + 1],), dtype=jnp.float32)
        dense_params.append((W, b))
    inp["dense_params"] = dense_params
    # OverArch: MLP over layer_sizes[:-1] with relu, then final Linear (no activation)
    odims = [OVER_IN] + OVER_LAYERS
    over_params = []
    for i in range(len(OVER_LAYERS)):
        kw = jax.random.fold_in(ks[4], i)
        W = jax.random.normal(kw, (odims[i], odims[i + 1]), dtype=jnp.float32) / np.sqrt(odims[i])
        b = jnp.zeros((odims[i + 1],), dtype=jnp.float32)
        over_params.append((W, b))
    inp["over_params"] = over_params
    return inp


def reference(dense_features, sparse_indices, tables, dense_params, over_params):
    # DenseArch: MLP with relu on every layer
    x = dense_features
    for (W, b) in dense_params:
        x = jax.nn.relu(x @ W + b)
    embedded_dense = x  # [B, D]
    # SparseArch: per-feature embedding lookup (EmbeddingBag with 1 idx/bag == plain lookup)
    # tables: [F, V, D], sparse_indices: [B, F] -> [B, F, D]
    embedded_sparse = jax.vmap(lambda t, i: jnp.take(t, i, axis=0), in_axes=(0, 1), out_axes=1)(tables, sparse_indices)
    # InteractionArch: pairwise dot products of (dense, sparse) feature vectors
    combined = jnp.concatenate([embedded_dense[:, None, :], embedded_sparse], axis=1)  # [B, F+1, D]
    interactions = jnp.einsum("bnd,bmd->bnm", combined, combined)  # [B, F+1, F+1]
    ti, tj = jnp.triu_indices(F + 1, k=1)
    interactions_flat = interactions[:, ti, tj]  # [B, C(F+1,2)]
    feat = jnp.concatenate([embedded_dense, interactions_flat], axis=1)  # [B, OVER_IN]
    # OverArch
    y = feat
    for (W, b) in over_params[:-1]:
        y = jax.nn.relu(y @ W + b)
    Wf, bf = over_params[-1]
    logits = y @ Wf + bf  # [B, 1]
    return logits

if __name__ == "__main__":
    import jax
    _d = setup_inputs()
    print(jax.jit(kernel)(*tuple(_d.values())))

</pallas_src>

<mosaic_0001>
#map = affine_map<(d0, d1) -> (0, 0)>
#map1 = affine_map<(d0, d1) -> (0)>
module attributes {stable_mosaic.version = 14 : i64} {
  func.func @sc_gather(%arg0: i32, %arg1: i32, %arg2: memref<2600000x64xf32, #tpu.memory_space<hbm>>, %arg3: memref<106496xi32, #tpu.memory_space<hbm>>, %arg4: memref<106496x128xf32, #tpu.memory_space<hbm>>, %arg5: memref<3328xi32, #tpu.memory_space<vmem>>, %arg6: memref<26x128xi32, #tpu.memory_space<vmem>>, %arg7: memref<4x128x64xf32, #tpu.memory_space<vmem>>, %arg8: memref<4x!tpu.dma_semaphore, #tpu.memory_space<semaphore_mem>>) attributes {dimension_semantics = [#tpu.dimension_semantics<core_parallel>, #tpu.dimension_semantics<subcore_parallel>], iteration_bounds = array<i64: 2, 16>, scalar_prefetch = 0 : i64, scratch_operands = 4 : i64, tpu.core_type = #tpu.core_type<sc_vector_subcore>, window_params = [{transform_indices = #map}, {transform_indices = #map1}, {transform_indices = #map}]} {
    %mul3A = arith.constant 2 : i32
    %mul3A_0 = arith.muli %arg1, %mul3A : i32
    %add3A = arith.addi %mul3A_0, %arg0 : i32
    %mul3A_1 = arith.constant 3328 : i32
    %mul3A_2 = arith.muli %add3A, %mul3A_1 : i32
    "tpu.region"() ({
      %run_scoped3A_105 = tpu.sem_alloc : memref<!tpu.dma_semaphore, #tpu.memory_space<semaphore_mem>>
      %dma_start3A_106 = tpu.memref_slice %arg3[%mul3A_2] : memref<106496xi32, #tpu.memory_space<hbm>> -> memref<3328xi32, #tpu.memory_space<hbm>>
      %dma_start3A_107 = tpu.memref_slice %arg3[%mul3A_2] : memref<106496xi32, #tpu.memory_space<hbm>> -> memref<3328xi32, #tpu.memory_space<hbm>>
      tpu.enqueue_dma source(%dma_start3A_107 : memref<3328xi32, #tpu.memory_space<hbm>>) target(%arg5 : memref<3328xi32, #tpu.memory_space<vmem>>) target_semaphore(%run_scoped3A_105 : memref<!tpu.dma_semaphore, #tpu.memory_space<semaphore_mem>>)
      %dma_wait3A_108 = tpu.memref_slice %arg3[%mul3A_2] : memref<106496xi32, #tpu.memory_space<hbm>> -> memref<3328xi32, #tpu.memory_space<hbm>>
      %dma_wait3A_109 = tpu.memref_slice %arg3[%mul3A_2] : memref<106496xi32, #tpu.memory_space<hbm>> -> memref<3328xi32, #tpu.memory_space<hbm>>
      tpu.wait_dma2 semaphore(%run_scoped3A_105 : memref<!tpu.dma_semaphore, #tpu.memory_space<semaphore_mem>>) src(%dma_wait3A_109 : memref<3328xi32, #tpu.memory_space<hbm>>) dst(%arg5 : memref<3328xi32, #tpu.memory_space<vmem>>)
      tpu.yield
    }) : () -> ()
    %scan3A = arith.constant 0 : i32
    %scan3A_3 = arith.constant 26 : i32
    %scan3A_4 = arith.addi %scan3A, %scan3A_3 : i32
    %scan3A_5 = arith.constant 1 : i32
    scf.for %scan3A_105 = %scan3A to %scan3A_4 step %scan3A_5  : i32 {
      %mul3A_106 = arith.constant 1 : i32
      %mul3A_107 = arith.muli %scan3A_105, %mul3A_106 : i32
      %add3A_108 = arith.constant 0 : i32
      %add3A_109 = arith.addi %add3A_108, %mul3A_107 : i32
      %mul3A_110 = arith.constant 128 : i32
      %mul3A_111 = arith.muli %add3A_109, %mul3A_110 : i32
      %add3A_112 = arith.addi %mul3A_2, %mul3A_111 : i32
      %add3A_113 = arith.constant 0 : i32
      %add3A_114 = arith.addi %add3A_112, %add3A_113 : i32
      %iota3A = tpu.iota {dimensions = array<i32: 0>} : vector<16xi32>
      %add3A_115 = vector.broadcast %add3A_114 : i32 to vector<16xi32>
      %add3A_116 = arith.addi %iota3A, %add3A_115 : vector<16xi32>
      %jit3A = arith.constant 26 : i32
      %eq3A = arith.constant 0 : i32
      %eq3A_117 = arith.cmpi eq, %jit3A, %eq3A : i32
      %jit3A_118 = arith.constant 1 : i32
      %select_n3A = arith.select %eq3A_117, %jit3A_118, %jit3A : i32
      %rem3A = vector.broadcast %select_n3A : i32 to vector<16xi32>
      %rem3A_119 = arith.remsi %add3A_116, %rem3A : vector<16xi32>
      %ne3A = arith.constant 0 : i32
      %ne3A_120 = vector.broadcast %ne3A : i32 to vector<16xi32>
      %ne3A_121 = arith.cmpi ne, %rem3A_119, %ne3A_120 : vector<16xi32>
      %lt3A = arith.constant 0 : i32
      %lt3A_122 = vector.broadcast %lt3A : i32 to vector<16xi32>
      %lt3A_123 = arith.cmpi slt, %rem3A_119, %lt3A_122 : vector<16xi32>
      %lt3A_124 = arith.constant 0 : i32
      %lt3A_125 = arith.cmpi slt, %select_n3A, %lt3A_124 : i32
      %ne3A_126 = vector.broadcast %lt3A_125 : i1 to vector<16xi1>
      %ne3A_127 = vector.broadcast %ne3A_126 : vector<16xi1> to vector<16xi1>
      %ne3A_128 = arith.xori %lt3A_123, %ne3A_127 : vector<16xi1>
      %and3A = arith.andi %ne3A_128, %ne3A_121 : vector<16xi1>
      %add3A_129 = vector.broadcast %select_n3A : i32 to vector<16xi32>
      %add3A_130 = arith.addi %rem3A_119, %add3A_129 : vector<16xi32>
      %select_n3A_131 = arith.select %and3A, %add3A_130, %rem3A_119 : vector<16xi1>, vector<16xi32>
      %mul3A_132 = arith.constant 100000 : i32
      %mul3A_133 = vector.broadcast %mul3A_132 : i32 to vector<16xi32>
      %mul3A_134 = arith.muli %select_n3A_131, %mul3A_133 : vector<16xi32>
      %mul3A_135 = arith.constant 128 : i32
      %mul3A_136 = arith.muli %add3A_109, %mul3A_135 : i32
      %add3A_137 = arith.constant 0 : i32
      %add3A_138 = arith.addi %mul3A_136, %add3A_137 : i32
      %get3A = arith.index_cast %add3A_138 : i32 to index
      %get3A_139 = tpu.vector_load %arg5[%get3A] {strides = array<i32>} : memref<3328xi32, #tpu.memory_space<vmem>>, vector<16xi32>,
      %get3A_140 = vector.shape_cast %get3A_139 : vector<16xi32> to vector<16xi32>
      %add3A_141 = arith.addi %get3A_140, %mul3A_134 : vector<16xi32>
      %swap3A = arith.index_cast %add3A_109 : i32 to index
      %swap3A_142 = arith.constant 0 : index
      %swap3A_143 = tpu.vector_load %arg6[%swap3A, %swap3A_142] {strides = array<i32>} : memref<26x128xi32, #tpu.memory_space<vmem>>, vector<1x16xi32>,
      %swap3A_144 = vector.shape_cast %swap3A_143 : vector<1x16xi32> to vector<16xi32>
      %swap3A_145 = vector.shape_cast %add3A_141 : vector<16xi32> to vector<1x16xi32>
      tpu.vector_store %arg6[%swap3A, %swap3A_142], %swap3A_145 {strides = array<i32>} : memref<26x128xi32, #tpu.memory_space<vmem>>, vector<1x16xi32>,
      %mul3A_146 = arith.constant 128 : i32
      %mul3A_147 = arith.muli %add3A_109, %mul3A_146 : i32
      %add3A_148 = arith.addi %mul3A_2, %mul3A_147 : i32
      %add3A_149 = arith.constant 16 : i32
      %add3A_150 = arith.addi %add3A_148, %add3A_149 : i32
      %iota3A_151 = tpu.iota {dimensions = array<i32: 0>} : vector<16xi32>
      %add3A_152 = vector.broadcast %add3A_150 : i32 to vector<16xi32>
      %add3A_153 = arith.addi %iota3A_151, %add3A_152 : vector<16xi32>
      %jit3A_154 = arith.constant 26 : i32
      %eq3A_155 = arith.constant 0 : i32
      %eq3A_156 = arith.cmpi eq, %jit3A_154, %eq3A_155 : i32
      %jit3A_157 = arith.constant 1 : i32
      %select_n3A_158 = arith.select %eq3A_156, %jit3A_157, %jit3A_154 : i32
      %rem3A_159 = vector.broadcast %select_n3A_158 : i32 to vector<16xi32>
      %rem3A_160 = arith.remsi %add3A_153, %rem3A_159 : vector<16xi32>
      %ne3A_161 = arith.constant 0 : i32
      %ne3A_162 = vector.broadcast %ne3A_161 : i32 to vector<16xi32>
      %ne3A_163 = arith.cmpi ne, %rem3A_160, %ne3A_162 : vector<16xi32>
      %lt3A_164 = arith.constant 0 : i32
      %lt3A_165 = vector.broadcast %lt3A_164 : i32 to vector<16xi32>
      %lt3A_166 = arith.cmpi slt, %rem3A_160, %lt3A_165 : vector<16xi32>
      %lt3A_167 = arith.constant 0 : i32
      %lt3A_168 = arith.cmpi slt, %select_n3A_158, %lt3A_167 : i32
      %ne3A_169 = vector.broadcast %lt3A_168 : i1 to vector<16xi1>
      %ne3A_170 = vector.broadcast %ne3A_169 : vector<16xi1> to vector<16xi1>
      %ne3A_171 = arith.xori %lt3A_166, %ne3A_170 : vector<16xi1>
      %and3A_172 = arith.andi %ne3A_171, %ne3A_163 : vector<16xi1>
      %add3A_173 = vector.broadcast %select_n3A_158 : i32 to vector<16xi32>
      %add3A_174 = arith.addi %rem3A_160, %add3A_173 : vector<16xi32>
      %select_n3A_175 = arith.select %and3A_172, %add3A_174, %rem3A_160 : vector<16xi1>, vector<16xi32>
      %mul3A_176 = arith.constant 100000 : i32
      %mul3A_177 = vector.broadcast %mul3A_176 : i32 to vector<16xi32>
      %mul3A_178 = arith.muli %select_n3A_175, %mul3A_177 : vector<16xi32>
      %mul3A_179 = arith.constant 128 : i32
      %mul3A_180 = arith.muli %add3A_109, %mul3A_179 : i32
      %add3A_181 = arith.constant 16 : i32
      %add3A_182 = arith.addi %mul3A_180, %add3A_181 : i32
      %get3A_183 = arith.index_cast %add3A_182 : i32 to index
      %get3A_184 = tpu.vector_load %arg5[%get3A_183] {strides = array<i32>} : memref<3328xi32, #tpu.memory_space<vmem>>, vector<16xi32>,
      %get3A_185 = vector.shape_cast %get3A_184 : vector<16xi32> to vector<16xi32>
      %add3A_186 = arith.addi %get3A_185, %mul3A_178 : vector<16xi32>
      %swap3A_187 = arith.index_cast %add3A_109 : i32 to index
      %swap3A_188 = arith.constant 16 : index
      %swap3A_189 = tpu.vector_load %arg6[%swap3A_187, %swap3A_188] {strides = array<i32>} : memref<26x128xi32, #tpu.memory_space<vmem>>, vector<1x16xi32>,
      %swap3A_190 = vector.shape_cast %swap3A_189 : vector<1x16xi32> to vector<16xi32>
      %swap3A_191 = vector.shape_cast %add3A_186 : vector<16xi32> to vector<1x16xi32>
      tpu.vector_store %arg6[%swap3A_187, %swap3A_188], %swap3A_191 {strides = array<i32>} : memref<26x128xi32, #tpu.memory_space<vmem>>, vector<1x16xi32>,
      %mul3A_192 = arith.constant 128 : i32
      %mul3A_193 = arith.muli %add3A_109, %mul3A_192 : i32
      %add3A_194 = arith.addi %mul3A_2, %mul3A_193 : i32
      %add3A_195 = arith.constant 32 : i32
      %add3A_196 = arith.addi %add3A_194, %add3A_195 : i32
      %iota3A_197 = tpu.iota {dimensions = array<i32: 0>} : vector<16xi32>
      %add3A_198 = vector.broadcast %add3A_196 : i32 to vector<16xi32>
      %add3A_199 = arith.addi %iota3A_197, %add3A_198 : vector<16xi32>
      %jit3A_200 = arith.constant 26 : i32
      %eq3A_201 = arith.constant 0 : i32
      %eq3A_202 = arith.cmpi eq, %jit3A_200, %eq3A_201 : i32
      %jit3A_203 = arith.constant 1 : i32
      %select_n3A_204 = arith.select %eq3A_202, %jit3A_203, %jit3A_200 : i32
      %rem3A_205 = vector.broadcast %select_n3A_204 : i32 to vector<16xi32>
      %rem3A_206 = arith.remsi %add3A_199, %rem3A_205 : vector<16xi32>
      %ne3A_207 = arith.constant 0 : i32
      %ne3A_208 = vector.broadcast %ne3A_207 : i32 to vector<16xi32>
      %ne3A_209 = arith.cmpi ne, %rem3A_206, %ne3A_208 : vector<16xi32>
      %lt3A_210 = arith.constant 0 : i32
      %lt3A_211 = vector.broadcast %lt3A_210 : i32 to vector<16xi32>
      %lt3A_212 = arith.cmpi slt, %rem3A_206, %lt3A_211 : vector<16xi32>
      %lt3A_213 = arith.constant 0 : i32
      %lt3A_214 = arith.cmpi slt, %select_n3A_204, %lt3A_213 : i32
      %ne3A_215 = vector.broadcast %lt3A_214 : i1 to vector<16xi1>
      %ne3A_216 = vector.broadcast %ne3A_215 : vector<16xi1> to vector<16xi1>
      %ne3A_217 = arith.xori %lt3A_212, %ne3A_216 : vector<16xi1>
      %and3A_218 = arith.andi %ne3A_217, %ne3A_209 : vector<16xi1>
      %add3A_219 = vector.broadcast %select_n3A_204 : i32 to vector<16xi32>
      %add3A_220 = arith.addi %rem3A_206, %add3A_219 : vector<16xi32>
      %select_n3A_221 = arith.select %and3A_218, %add3A_220, %rem3A_206 : vector<16xi1>, vector<16xi32>
      %mul3A_222 = arith.constant 100000 : i32
      %mul3A_223 = vector.broadcast %mul3A_222 : i32 to vector<16xi32>
      %mul3A_224 = arith.muli %select_n3A_221, %mul3A_223 : vector<16xi32>
      %mul3A_225 = arith.constant 128 : i32
      %mul3A_226 = arith.muli %add3A_109, %mul3A_225 : i32
      %add3A_227 = arith.constant 32 : i32
      %add3A_228 = arith.addi %mul3A_226, %add3A_227 : i32
      %get3A_229 = arith.index_cast %add3A_228 : i32 to index
      %get3A_230 = tpu.vector_load %arg5[%get3A_229] {strides = array<i32>} : memref<3328xi32, #tpu.memory_space<vmem>>, vector<16xi32>,
      %get3A_231 = vector.shape_cast %get3A_230 : vector<16xi32> to vector<16xi32>
      %add3A_232 = arith.addi %get3A_231, %mul3A_224 : vector<16xi32>
      %swap3A_233 = arith.index_cast %add3A_109 : i32 to index
      %swap3A_234 = arith.constant 32 : index
      %swap3A_235 = tpu.vector_load %arg6[%swap3A_233, %swap3A_234] {strides = array<i32>} : memref<26x128xi32, #tpu.memory_space<vmem>>, vector<1x16xi32>,
      %swap3A_236 = vector.shape_cast %swap3A_235 : vector<1x16xi32> to vector<16xi32>
      %swap3A_237 = vector.shape_cast %add3A_232 : vector<16xi32> to vector<1x16xi32>
      tpu.vector_store %arg6[%swap3A_233, %swap3A_234], %swap3A_237 {strides = array<i32>} : memref<26x128xi32, #tpu.memory_space<vmem>>, vector<1x16xi32>,
      %mul3A_238 = arith.constant 128 : i32
      %mul3A_239 = arith.muli %add3A_109, %mul3A_238 : i32
      %add3A_240 = arith.addi %mul3A_2, %mul3A_239 : i32
      %add3A_241 = arith.constant 48 : i32
      %add3A_242 = arith.addi %add3A_240, %add3A_241 : i32
      %iota3A_243 = tpu.iota {dimensions = array<i32: 0>} : vector<16xi32>
      %add3A_244 = vector.broadcast %add3A_242 : i32 to vector<16xi32>
      %add3A_245 = arith.addi %iota3A_243, %add3A_244 : vector<16xi32>
      %jit3A_246 = arith.constant 26 : i32
      %eq3A_247 = arith.constant 0 : i32
      %eq3A_248 = arith.cmpi eq, %jit3A_246, %eq3A_247 : i32
      %jit3A_249 = arith.constant 1 : i32
      %select_n3A_250 = arith.select %eq3A_248, %jit3A_249, %jit3A_246 : i32
      %rem3A_251 = vector.broadcast %select_n3A_250 : i32 to vector<16xi32>
      %rem3A_252 = arith.remsi %add3A_245, %rem3A_251 : vector<16xi32>
      %ne3A_253 = arith.constant 0 : i32
      %ne3A_254 = vector.broadcast %ne3A_253 : i32 to vector<16xi32>
      %ne3A_255 = arith.cmpi ne, %rem3A_252, %ne3A_254 : vector<16xi32>
      %lt3A_256 = arith.constant 0 : i32
      %lt3A_257 = vector.broadcast %lt3A_256 : i32 to vector<16xi32>
      %lt3A_258 = arith.cmpi slt, %rem3A_252, %lt3A_257 : vector<16xi32>
      %lt3A_259 = arith.constant 0 : i32
      %lt3A_260 = arith.cmpi slt, %select_n3A_250, %lt3A_259 : i32
      %ne3A_261 = vector.broadcast %lt3A_260 : i1 to vector<16xi1>
      %ne3A_262 = vector.broadcast %ne3A_261 : vector<16xi1> to vector<16xi1>
      %ne3A_263 = arith.xori %lt3A_258, %ne3A_262 : vector<16xi1>
      %and3A_264 = arith.andi %ne3A_263, %ne3A_255 : vector<16xi1>
      %add3A_265 = vector.broadcast %select_n3A_250 : i32 to vector<16xi32>
      %add3A_266 = arith.addi %rem3A_252, %add3A_265 : vector<16xi32>
      %select_n3A_267 = arith.select %and3A_264, %add3A_266, %rem3A_252 : vector<16xi1>, vector<16xi32>
      %mul3A_268 = arith.constant 100000 : i32
      %mul3A_269 = vector.broadcast %mul3A_268 : i32 to vector<16xi32>
      %mul3A_270 = arith.muli %select_n3A_267, %mul3A_269 : vector<16xi32>
      %mul3A_271 = arith.constant 128 : i32
      %mul3A_272 = arith.muli %add3A_109, %mul3A_271 : i32
      %add3A_273 = arith.constant 48 : i32
      %add3A_274 = arith.addi %mul3A_272, %add3A_273 : i32
      %get3A_275 = arith.index_cast %add3A_274 : i32 to index
      %get3A_276 = tpu.vector_load %arg5[%get3A_275] {strides = array<i32>} : memref<3328xi32, #tpu.memory_space<vmem>>, vector<16xi32>,
      %get3A_277 = vector.shape_cast %get3A_276 : vector<16xi32> to vector<16xi32>
      %add3A_278 = arith.addi %get3A_277, %mul3A_270 : vector<16xi32>
      %swap3A_279 = arith.index_cast %add3A_109 : i32 to index
      %swap3A_280 = arith.constant 48 : index
      %swap3A_281 = tpu.vector_load %arg6[%swap3A_279, %swap3A_280] {strides = array<i32>} : memref<26x128xi32, #tpu.memory_space<vmem>>, vector<1x16xi32>,
      %swap3A_282 = vector.shape_cast %swap3A_281 : vector<1x16xi32> to vector<16xi32>
      %swap3A_283 = vector.shape_cast %add3A_278 : vector<16xi32> to vector<1x16xi32>
      tpu.vector_store %arg6[%swap3A_279, %swap3A_280], %swap3A_283 {strides = array<i32>} : memref<26x128xi32, #tpu.memory_space<vmem>>, vector<1x16xi32>,
      %mul3A_284 = arith.constant 128 : i32
      %mul3A_285 = arith.muli %add3A_109, %mul3A_284 : i32
      %add3A_286 = arith.addi %mul3A_2, %mul3A_285 : i32
      %add3A_287 = arith.constant 64 : i32
      %add3A_288 = arith.addi %add3A_286, %add3A_287 : i32
      %iota3A_289 = tpu.iota {dimensions = array<i32: 0>} : vector<16xi32>
      %add3A_290 = vector.broadcast %add3A_288 : i32 to vector<16xi32>
      %add3A_291 = arith.addi %iota3A_289, %add3A_290 : vector<16xi32>
      %jit3A_292 = arith.constant 26 : i32
      %eq3A_293 = arith.constant 0 : i32
      %eq3A_294 = arith.cmpi eq, %jit3A_292, %eq3A_293 : i32
      %jit3A_295 = arith.constant 1 : i32
      %select_n3A_296 = arith.select %eq3A_294, %jit3A_295, %jit3A_292 : i32
      %rem3A_297 = vector.broadcast %select_n3A_296 : i32 to vector<16xi32>
      %rem3A_298 = arith.remsi %add3A_291, %rem3A_297 : vector<16xi32>
      %ne3A_299 = arith.constant 0 : i32
      %ne3A_300 = vector.broadcast %ne3A_299 : i32 to vector<16xi32>
      %ne3A_301 = arith.cmpi ne, %rem3A_298, %ne3A_300 : vector<16xi32>
      %lt3A_302 = arith.constant 0 : i32
      %lt3A_303 = vector.broadcast %lt3A_302 : i32 to vector<16xi32>
      %lt3A_304 = arith.cmpi slt, %rem3A_298, %lt3A_303 : vector<16xi32>
      %lt3A_305 = arith.constant 0 : i32
      %lt3A_306 = arith.cmpi slt, %select_n3A_296, %lt3A_305 : i32
      %ne3A_307 = vector.broadcast %lt3A_306 : i1 to vector<16xi1>
      %ne3A_308 = vector.broadcast %ne3A_307 : vector<16xi1> to vector<16xi1>
      %ne3A_309 = arith.xori %lt3A_304, %ne3A_308 : vector<16xi1>
      %and3A_310 = arith.andi %ne3A_309, %ne3A_301 : vector<16xi1>
      %add3A_311 = vector.broadcast %select_n3A_296 : i32 to vector<16xi32>
      %add3A_312 = arith.addi %rem3A_298, %add3A_311 : vector<16xi32>
      %select_n3A_313 = arith.select %and3A_310, %add3A_312, %rem3A_298 : vector<16xi1>, vector<16xi32>
      %mul3A_314 = arith.constant 100000 : i32
      %mul3A_315 = vector.broadcast %mul3A_314 : i32 to vector<16xi32>
      %mul3A_316 = arith.muli %select_n3A_313, %mul3A_315 : vector<16xi32>
      %mul3A_317 = arith.constant 128 : i32
      %mul3A_318 = arith.muli %add3A_109, %mul3A_317 : i32
      %add3A_319 = arith.constant 64 : i32
      %add3A_320 = arith.addi %mul3A_318, %add3A_319 : i32
      %get3A_321 = arith.index_cast %add3A_320 : i32 to index
      %get3A_322 = tpu.vector_load %arg5[%get3A_321] {strides = array<i32>} : memref<3328xi32, #tpu.memory_space<vmem>>, vector<16xi32>,
      %get3A_323 = vector.shape_cast %get3A_322 : vector<16xi32> to vector<16xi32>
      %add3A_324 = arith.addi %get3A_323, %mul3A_316 : vector<16xi32>
      %swap3A_325 = arith.index_cast %add3A_109 : i32 to index
      %swap3A_326 = arith.constant 64 : index
      %swap3A_327 = tpu.vector_load %arg6[%swap3A_325, %swap3A_326] {strides = array<i32>} : memref<26x128xi32, #tpu.memory_space<vmem>>, vector<1x16xi32>,
      %swap3A_328 = vector.shape_cast %swap3A_327 : vector<1x16xi32> to vector<16xi32>
      %swap3A_329 = vector.shape_cast %add3A_324 : vector<16xi32> to vector<1x16xi32>
      tpu.vector_store %arg6[%swap3A_325, %swap3A_326], %swap3A_329 {strides = array<i32>} : memref<26x128xi32, #tpu.memory_space<vmem>>, vector<1x16xi32>,
      %mul3A_330 = arith.constant 128 : i32
      %mul3A_331 = arith.muli %add3A_109, %mul3A_330 : i32
      %add3A_332 = arith.addi %mul3A_2, %mul3A_331 : i32
      %add3A_333 = arith.constant 80 : i32
      %add3A_334 = arith.addi %add3A_332, %add3A_333 : i32
      %iota3A_335 = tpu.iota {dimensions = array<i32: 0>} : vector<16xi32>
      %add3A_336 = vector.broadcast %add3A_334 : i32 to vector<16xi32>
      %add3A_337 = arith.addi %iota3A_335, %add3A_336 : vector<16xi32>
      %jit3A_338 = arith.constant 26 : i32
      %eq3A_339 = arith.constant 0 : i32
      %eq3A_340 = arith.cmpi eq, %jit3A_338, %eq3A_339 : i32
      %jit3A_341 = arith.constant 1 : i32
      %select_n3A_342 = arith.select %eq3A_340, %jit3A_341, %jit3A_338 : i32
      %rem3A_343 = vector.broadcast %select_n3A_342 : i32 to vector<16xi32>
      %rem3A_344 = arith.remsi %add3A_337, %rem3A_343 : vector<16xi32>
      %ne3A_345 = arith.constant 0 : i32
      %ne3A_346 = vector.broadcast %ne3A_345 : i32 to vector<16xi32>
      %ne3A_347 = arith.cmpi ne, %rem3A_344, %ne3A_346 : vector<16xi32>
      %lt3A_348 = arith.constant 0 : i32
      %lt3A_349 = vector.broadcast %lt3A_348 : i32 to vector<16xi32>
      %lt3A_350 = arith.cmpi slt, %rem3A_344, %lt3A_349 : vector<16xi32>
      %lt3A_351 = arith.constant 0 : i32
      %lt3A_352 = arith.cmpi slt, %select_n3A_342, %lt3A_351 : i32
      %ne3A_353 = vector.broadcast %lt3A_352 : i1 to vector<16xi1>
      %ne3A_354 = vector.broadcast %ne3A_353 : vector<16xi1> to vector<16xi1>
      %ne3A_355 = arith.xori %lt3A_350, %ne3A_354 : vector<16xi1>
      %and3A_356 = arith.andi %ne3A_355, %ne3A_347 : vector<16xi1>
      %add3A_357 = vector.broadcast %select_n3A_342 : i32 to vector<16xi32>
      %add3A_358 = arith.addi %rem3A_344, %add3A_357 : vector<16xi32>
      %select_n3A_359 = arith.select %and3A_356, %add3A_358, %rem3A_344 : vector<16xi1>, vector<16xi32>
      %mul3A_360 = arith.constant 100000 : i32
      %mul3A_361 = vector.broadcast %mul3A_360 : i32 to vector<16xi32>
      %mul3A_362 = arith.muli %select_n3A_359, %mul3A_361 : vector<16xi32>
      %mul3A_363 = arith.constant 128 : i32
      %mul3A_364 = arith.muli %add3A_109, %mul3A_363 : i32
      %add3A_365 = arith.constant 80 : i32
      %add3A_366 = arith.addi %mul3A_364, %add3A_365 : i32
      %get3A_367 = arith.index_cast %add3A_366 : i32 to index
      %get3A_368 = tpu.vector_load %arg5[%get3A_367] {strides = array<i32>} : memref<3328xi32, #tpu.memory_space<vmem>>, vector<16xi32>,
      %get3A_369 = vector.shape_cast %get3A_368 : vector<16xi32> to vector<16xi32>
      %add3A_370 = arith.addi %get3A_369, %mul3A_362 : vector<16xi32>
      %swap3A_371 = arith.index_cast %add3A_109 : i32 to index
      %swap3A_372 = arith.constant 80 : index
      %swap3A_373 = tpu.vector_load %arg6[%swap3A_371, %swap3A_372] {strides = array<i32>} : memref<26x128xi32, #tpu.memory_space<vmem>>, vector<1x16xi32>,
      %swap3A_374 = vector.shape_cast %swap3A_373 : vector<1x16xi32> to vector<16xi32>
      %swap3A_375 = vector.shape_cast %add3A_370 : vector<16xi32> to vector<1x16xi32>
      tpu.vector_store %arg6[%swap3A_371, %swap3A_372], %swap3A_375 {strides = array<i32>} : memref<26x128xi32, #tpu.memory_space<vmem>>, vector<1x16xi32>,
      %mul3A_376 = arith.constant 128 : i32
      %mul3A_377 = arith.muli %add3A_109, %mul3A_376 : i32
      %add3A_378 = arith.addi %mul3A_2, %mul3A_377 : i32
      %add3A_379 = arith.constant 96 : i32
      %add3A_380 = arith.addi %add3A_378, %add3A_379 : i32
      %iota3A_381 = tpu.iota {dimensions = array<i32: 0>} : vector<16xi32>
      %add3A_382 = vector.broadcast %add3A_380 : i32 to vector<16xi32>
      %add3A_383 = arith.addi %iota3A_381, %add3A_382 : vector<16xi32>
      %jit3A_384 = arith.constant 26 : i32
      %eq3A_385 = arith.constant 0 : i32
      %eq3A_386 = arith.cmpi eq, %jit3A_384, %eq3A_385 : i32
      %jit3A_387 = arith.constant 1 : i32
      %select_n3A_388 = arith.select %eq3A_386, %jit3A_387, %jit3A_384 : i32
      %rem3A_389 = vector.broadcast %select_n3A_388 : i32 to vector<16xi32>
      %rem3A_390 = arith.remsi %add3A_383, %rem3A_389 : vector<16xi32>
      %ne3A_391 = arith.constant 0 : i32
      %ne3A_392 = vector.broadcast %ne3A_391 : i32 to vector<16xi32>
      %ne3A_393 = arith.cmpi ne, %rem3A_390, %ne3A_392 : vector<16xi32>
      %lt3A_394 = arith.constant 0 : i32
      %lt3A_395 = vector.broadcast %lt3A_394 : i32 to vector<16xi32>
      %lt3A_396 = arith.cmpi slt, %rem3A_390, %lt3A_395 : vector<16xi32>
      %lt3A_397 = arith.constant 0 : i32
      %lt3A_398 = arith.cmpi slt, %select_n3A_388, %lt3A_397 : i32
      %ne3A_399 = vector.broadcast %lt3A_398 : i1 to vector<16xi1>
      %ne3A_400 = vector.broadcast %ne3A_399 : vector<16xi1> to vector<16xi1>
      %ne3A_401 = arith.xori %lt3A_396, %ne3A_400 : vector<16xi1>
      %and3A_402 = arith.andi %ne3A_401, %ne3A_393 : vector<16xi1>
      %add3A_403 = vector.broadcast %select_n3A_388 : i32 to vector<16xi32>
      %add3A_404 = arith.addi %rem3A_390, %add3A_403 : vector<16xi32>
      %select_n3A_405 = arith.select %and3A_402, %add3A_404, %rem3A_390 : vector<16xi1>, vector<16xi32>
      %mul3A_406 = arith.constant 100000 : i32
      %mul3A_407 = vector.broadcast %mul3A_406 : i32 to vector<16xi32>
      %mul3A_408 = arith.muli %select_n3A_405, %mul3A_407 : vector<16xi32>
      %mul3A_409 = arith.constant 128 : i32
      %mul3A_410 = arith.muli %add3A_109, %mul3A_409 : i32
      %add3A_411 = arith.constant 96 : i32
      %add3A_412 = arith.addi %mul3A_410, %add3A_411 : i32
      %get3A_413 = arith.index_cast %add3A_412 : i32 to index
      %get3A_414 = tpu.vector_load %arg5[%get3A_413] {strides = array<i32>} : memref<3328xi32, #tpu.memory_space<vmem>>, vector<16xi32>,
      %get3A_415 = vector.shape_cast %get3A_414 : vector<16xi32> to vector<16xi32>
      %add3A_416 = arith.addi %get3A_415, %mul3A_408 : vector<16xi32>
      %swap3A_417 = arith.index_cast %add3A_109 : i32 to index
      %swap3A_418 = arith.constant 96 : index
      %swap3A_419 = tpu.vector_load %arg6[%swap3A_417, %swap3A_418] {strides = array<i32>} : memref<26x128xi32, #tpu.memory_space<vmem>>, vector<1x16xi32>,
      %swap3A_420 = vector.shape_cast %swap3A_419 : vector<1x16xi32> to vector<16xi32>
      %swap3A_421 = vector.shape_cast %add3A_416 : vector<16xi32> to vector<1x16xi32>
      tpu.vector_store %arg6[%swap3A_417, %swap3A_418], %swap3A_421 {strides = array<i32>} : memref<26x128xi32, #tpu.memory_space<vmem>>, vector<1x16xi32>,
      %mul3A_422 = arith.constant 128 : i32
      %mul3A_423 = arith.muli %add3A_109, %mul3A_422 : i32
      %add3A_424 = arith.addi %mul3A_2, %mul3A_423 : i32
      %add3A_425 = arith.constant 112 : i32
      %add3A_426 = arith.addi %add3A_424, %add3A_425 : i32
      %iota3A_427 = tpu.iota {dimensions = array<i32: 0>} : vector<16xi32>
      %add3A_428 = vector.broadcast %add3A_426 : i32 to vector<16xi32>
      %add3A_429 = arith.addi %iota3A_427, %add3A_428 : vector<16xi32>
      %jit3A_430 = arith.constant 26 : i32
      %eq3A_431 = arith.constant 0 : i32
      %eq3A_432 = arith.cmpi eq, %jit3A_430, %eq3A_431 : i32
      %jit3A_433 = arith.constant 1 : i32
      %select_n3A_434 = arith.select %eq3A_432, %jit3A_433, %jit3A_430 : i32
      %rem3A_435 = vector.broadcast %select_n3A_434 : i32 to vector<16xi32>
      %rem3A_436 = arith.remsi %add3A_429, %rem3A_435 : vector<16xi32>
      %ne3A_437 = arith.constant 0 : i32
      %ne3A_438 = vector.broadcast %ne3A_437 : i32 to vector<16xi32>
      %ne3A_439 = arith.cmpi ne, %rem3A_436, %ne3A_438 : vector<16xi32>
      %lt3A_440 = arith.constant 0 : i32
      %lt3A_441 = vector.broadcast %lt3A_440 : i32 to vector<16xi32>
      %lt3A_442 = arith.cmpi slt, %rem3A_436, %lt3A_441 : vector<16xi32>
      %lt3A_443 = arith.constant 0 : i32
      %lt3A_444 = arith.cmpi slt, %select_n3A_434, %lt3A_443 : i32
      %ne3A_445 = vector.broadcast %lt3A_444 : i1 to vector<16xi1>
      %ne3A_446 = vector.broadcast %ne3A_445 : vector<16xi1> to vector<16xi1>
      %ne3A_447 = arith.xori %lt3A_442, %ne3A_446 : vector<16xi1>
      %and3A_448 = arith.andi %ne3A_447, %ne3A_439 : vector<16xi1>
      %add3A_449 = vector.broadcast %select_n3A_434 : i32 to vector<16xi32>
      %add3A_450 = arith.addi %rem3A_436, %add3A_449 : vector<16xi32>
      %select_n3A_451 = arith.select %and3A_448, %add3A_450, %rem3A_436 : vector<16xi1>, vector<16xi32>
      %mul3A_452 = arith.constant 100000 : i32
      %mul3A_453 = vector.broadcast %mul3A_452 : i32 to vector<16xi32>
      %mul3A_454 = arith.muli %select_n3A_451, %mul3A_453 : vector<16xi32>
      %mul3A_455 = arith.constant 128 : i32
      %mul3A_456 = arith.muli %add3A_109, %mul3A_455 : i32
      %add3A_457 = arith.constant 112 : i32
      %add3A_458 = arith.addi %mul3A_456, %add3A_457 : i32
      %get3A_459 = arith.index_cast %add3A_458 : i32 to index
      %get3A_460 = tpu.vector_load %arg5[%get3A_459] {strides = array<i32>} : memref<3328xi32, #tpu.memory_space<vmem>>, vector<16xi32>,
      %get3A_461 = vector.shape_cast %get3A_460 : vector<16xi32> to vector<16xi32>
      %add3A_462 = arith.addi %get3A_461, %mul3A_454 : vector<16xi32>
      %swap3A_463 = arith.index_cast %add3A_109 : i32 to index
      %swap3A_464 = arith.constant 112 : index
      %swap3A_465 = tpu.vector_load %arg6[%swap3A_463, %swap3A_464] {strides = array<i32>} : memref<26x128xi32, #tpu.memory_space<vmem>>, vector<1x16xi32>,
      %swap3A_466 = vector.shape_cast %swap3A_465 : vector<1x16xi32> to vector<16xi32>
      %swap3A_467 = vector.shape_cast %add3A_462 : vector<16xi32> to vector<1x16xi32>
      tpu.vector_store %arg6[%swap3A_463, %swap3A_464], %swap3A_467 {strides = array<i32>} : memref<26x128xi32, #tpu.memory_space<vmem>>, vector<1x16xi32>,
    }
    %scan3A_6 = arith.constant 26 : i32
    %dma_start3A = arith.constant 0 : i32
    %dma_start3A_7 = arith.constant 0 : i32
    %dma_start3A_8 = arith.constant 0 : i32
    %dma_start3A_9 = arith.constant 0 : i32
    %dma_start3A_10 = arith.constant 0 : i32
    %dma_start3A_11 = tpu.memref_slice %arg7[%dma_start3A_7, %dma_start3A_9, %dma_start3A_10] : memref<4x128x64xf32, #tpu.memory_space<vmem>> -> memref<1x128x64xf32, #tpu.memory_space<vmem>>
    %dma_start3A_12 = tpu.memref_squeeze %dma_start3A_11 : memref<1x128x64xf32, #tpu.memory_space<vmem>> -> memref<128x64xf32, #tpu.memory_space<vmem>>
    %dma_start3A_13 = arith.constant 0 : i32
    %dma_start3A_14 = tpu.memref_slice %arg6[%dma_start3A, %dma_start3A_13] : memref<26x128xi32, #tpu.memory_space<vmem>> -> memref<1x128xi32, #tpu.memory_space<vmem>>
    %dma_start3A_15 = tpu.memref_squeeze %dma_start3A_14 : memref<1x128xi32, #tpu.memory_space<vmem>> -> memref<128xi32, #tpu.memory_space<vmem>>
    %dma_start3A_16 = arith.constant 0 : i32
    %dma_start3A_17 = arith.constant 0 : i32
    %dma_start3A_18 = tpu.memref_slice %arg2[%dma_start3A_16, %dma_start3A_17] : memref<2600000x64xf32, #tpu.memory_space<hbm>> -> memref<2600000x64xf32, #tpu.memory_space<hbm>>
    %dma_start3A_19 = tpu.memref_slice %arg8[%dma_start3A_8] : memref<4x!tpu.dma_semaphore, #tpu.memory_space<semaphore_mem>> -> memref<1x!tpu.dma_semaphore, #tpu.memory_space<semaphore_mem>>
    %dma_start3A_20 = tpu.memref_squeeze %dma_start3A_19 : memref<1x!tpu.dma_semaphore, #tpu.memory_space<semaphore_mem>> -> memref<!tpu.dma_semaphore, #tpu.memory_space<semaphore_mem>>
    tpu.enqueue_indirect_dma source(%dma_start3A_18 : memref<2600000x64xf32, #tpu.memory_space<hbm>>) target(%dma_start3A_12 : memref<128x64xf32, #tpu.memory_space<vmem>>) offsets(%dma_start3A_15 : memref<128xi32, #tpu.memory_space<vmem>>) semaphore(%dma_start3A_20 : memref<!tpu.dma_semaphore, #tpu.memory_space<semaphore_mem>>)
    %dma_start3A_21 = arith.constant 1 : i32
    %dma_start3A_22 = arith.constant 1 : i32
    %dma_start3A_23 = arith.constant 1 : i32
    %dma_start3A_24 = arith.constant 0 : i32
    %dma_start3A_25 = arith.constant 0 : i32
    %dma_start3A_26 = tpu.memref_slice %arg7[%dma_start3A_22, %dma_start3A_24, %dma_start3A_25] : memref<4x128x64xf32, #tpu.memory_space<vmem>> -> memref<1x128x64xf32, #tpu.memory_space<vmem>>
    %dma_start3A_27 = tpu.memref_squeeze %dma_start3A_26 : memref<1x128x64xf32, #tpu.memory_space<vmem>> -> memref<128x64xf32, #tpu.memory_space<vmem>>
    %dma_start3A_28 = arith.constant 0 : i32
    %dma_start3A_29 = tpu.memref_slice %arg6[%dma_start3A_21, %dma_start3A_28] : memref<26x128xi32, #tpu.memory_space<vmem>> -> memref<1x128xi32, #tpu.memory_space<vmem>>
    %dma_start3A_30 = tpu.memref_squeeze %dma_start3A_29 : memref<1x128xi32, #tpu.memory_space<vmem>> -> memref<128xi32, #tpu.memory_space<vmem>>
    %dma_start3A_31 = arith.constant 0 : i32
    %dma_start3A_32 = arith.constant 0 : i32
    %dma_start3A_33 = tpu.memref_slice %arg2[%dma_start3A_31, %dma_start3A_32] : memref<2600000x64xf32, #tpu.memory_space<hbm>> -> memref<2600000x64xf32, #tpu.memory_space<hbm>>
    %dma_start3A_34 = tpu.memref_slice %arg8[%dma_start3A_23] : memref<4x!tpu.dma_semaphore, #tpu.memory_space<semaphore_mem>> -> memref<1x!tpu.dma_semaphore, #tpu.memory_space<semaphore_mem>>
    %dma_start3A_35 = tpu.memref_squeeze %dma_start3A_34 : memref<1x!tpu.dma_semaphore, #tpu.memory_space<semaphore_mem>> -> memref<!tpu.dma_semaphore, #tpu.memory_space<semaphore_mem>>
    tpu.enqueue_indirect_dma source(%dma_start3A_33 : memref<2600000x64xf32, #tpu.memory_space<hbm>>) target(%dma_start3A_27 : memref<128x64xf32, #tpu.memory_space<vmem>>) offsets(%dma_start3A_30 : memref<128xi32, #tpu.memory_space<vmem>>) semaphore(%dma_start3A_35 : memref<!tpu.dma_semaphore, #tpu.memory_space<semaphore_mem>>)
    %dma_start3A_36 = arith.constant 2 : i32
    %dma_start3A_37 = arith.constant 2 : i32
    %dma_start3A_38 = arith.constant 2 : i32
    %dma_start3A_39 = arith.constant 0 : i32
    %dma_start3A_40 = arith.constant 0 : i32
    %dma_start3A_41 = tpu.memref_slice %arg7[%dma_start3A_37, %dma_start3A_39, %dma_start3A_40] : memref<4x128x64xf32, #tpu.memory_space<vmem>> -> memref<1x128x64xf32, #tpu.memory_space<vmem>>
    %dma_start3A_42 = tpu.memref_squeeze %dma_start3A_41 : memref<1x128x64xf32, #tpu.memory_space<vmem>> -> memref<128x64xf32, #tpu.memory_space<vmem>>
    %dma_start3A_43 = arith.constant 0 : i32
    %dma_start3A_44 = tpu.memref_slice %arg6[%dma_start3A_36, %dma_start3A_43] : memref<26x128xi32, #tpu.memory_space<vmem>> -> memref<1x128xi32, #tpu.memory_space<vmem>>
    %dma_start3A_45 = tpu.memref_squeeze %dma_start3A_44 : memref<1x128xi32, #tpu.memory_space<vmem>> -> memref<128xi32, #tpu.memory_space<vmem>>
    %dma_start3A_46 = arith.constant 0 : i32
    %dma_start3A_47 = arith.constant 0 : i32
    %dma_start3A_48 = tpu.memref_slice %arg2[%dma_start3A_46, %dma_start3A_47] : memref<2600000x64xf32, #tpu.memory_space<hbm>> -> memref<2600000x64xf32, #tpu.memory_space<hbm>>
    %dma_start3A_49 = tpu.memref_slice %arg8[%dma_start3A_38] : memref<4x!tpu.dma_semaphore, #tpu.memory_space<semaphore_mem>> -> memref<1x!tpu.dma_semaphore, #tpu.memory_space<semaphore_mem>>
    %dma_start3A_50 = tpu.memref_squeeze %dma_start3A_49 : memref<1x!tpu.dma_semaphore, #tpu.memory_space<semaphore_mem>> -> memref<!tpu.dma_semaphore, #tpu.memory_space<semaphore_mem>>
    tpu.enqueue_indirect_dma source(%dma_start3A_48 : memref<2600000x64xf32, #tpu.memory_space<hbm>>) target(%dma_start3A_42 : memref<128x64xf32, #tpu.memory_space<vmem>>) offsets(%dma_start3A_45 : memref<128xi32, #tpu.memory_space<vmem>>) semaphore(%dma_start3A_50 : memref<!tpu.dma_semaphore, #tpu.memory_space<semaphore_mem>>)
    %dma_start3A_51 = arith.constant 3 : i32
    %dma_start3A_52 = arith.constant 3 : i32
    %dma_start3A_53 = arith.constant 3 : i32
    %dma_start3A_54 = arith.constant 0 : i32
    %dma_start3A_55 = arith.constant 0 : i32
    %dma_start3A_56 = tpu.memref_slice %arg7[%dma_start3A_52, %dma_start3A_54, %dma_start3A_55] : memref<4x128x64xf32, #tpu.memory_space<vmem>> -> memref<1x128x64xf32, #tpu.memory_space<vmem>>
    %dma_start3A_57 = tpu.memref_squeeze %dma_start3A_56 : memref<1x128x64xf32, #tpu.memory_space<vmem>> -> memref<128x64xf32, #tpu.memory_space<vmem>>
    %dma_start3A_58 = arith.constant 0 : i32
    %dma_start3A_59 = tpu.memref_slice %arg6[%dma_start3A_51, %dma_start3A_58] : memref<26x128xi32, #tpu.memory_space<vmem>> -> memref<1x128xi32, #tpu.memory_space<vmem>>
    %dma_start3A_60 = tpu.memref_squeeze %dma_start3A_59 : memref<1x128xi32, #tpu.memory_space<vmem>> -> memref<128xi32, #tpu.memory_space<vmem>>
    %dma_start3A_61 = arith.constant 0 : i32
    %dma_start3A_62 = arith.constant 0 : i32
    %dma_start3A_63 = tpu.memref_slice %arg2[%dma_start3A_61, %dma_start3A_62] : memref<2600000x64xf32, #tpu.memory_space<hbm>> -> memref<2600000x64xf32, #tpu.memory_space<hbm>>
    %dma_start3A_64 = tpu.memref_slice %arg8[%dma_start3A_53] : memref<4x!tpu.dma_semaphore, #tpu.memory_space<semaphore_mem>> -> memref<1x!tpu.dma_semaphore, #tpu.memory_space<semaphore_mem>>
    %dma_start3A_65 = tpu.memref_squeeze %dma_start3A_64 : memref<1x!tpu.dma_semaphore, #tpu.memory_space<semaphore_mem>> -> memref<!tpu.dma_semaphore, #tpu.memory_space<semaphore_mem>>
    tpu.enqueue_indirect_dma source(%dma_start3A_63 : memref<2600000x64xf32, #tpu.memory_space<hbm>>) target(%dma_start3A_57 : memref<128x64xf32, #tpu.memory_space<vmem>>) offsets(%dma_start3A_60 : memref<128xi32, #tpu.memory_space<vmem>>) semaphore(%dma_start3A_65 : memref<!tpu.dma_semaphore, #tpu.memory_space<semaphore_mem>>)
    %scan3A_66 = arith.constant 0 : i32
    %scan3A_67 = arith.constant 6 : i32
    %scan3A_68 = arith.addi %scan3A_66, %scan3A_67 : i32
    %scan3A_69 = arith.constant 1 : i32
    scf.for %scan3A_105 = %scan3A_66 to %scan3A_68 step %scan3A_69  : i32 {
      %mul3A_106 = arith.constant 1 : i32
      %mul3A_107 = arith.muli %scan3A_105, %mul3A_106 : i32
      %add3A_108 = arith.constant 0 : i32
      %add3A_109 = arith.addi %add3A_108, %mul3A_107 : i32
      %mul3A_110 = arith.constant 4 : i32
      %mul3A_111 = arith.muli %add3A_109, %mul3A_110 : i32
      %add3A_112 = arith.constant 0 : i32
      %add3A_113 = arith.addi %mul3A_111, %add3A_112 : i32
      %dma_wait3A_114 = arith.constant 0 : i32
      %dma_wait3A_115 = arith.constant 0 : i32
      %dma_wait3A_116 = arith.constant 0 : i32
      %dma_wait3A_117 = arith.constant 0 : i32
      %dma_wait3A_118 = tpu.memref_slice %arg7[%dma_wait3A_114, %dma_wait3A_116, %dma_wait3A_117] : memref<4x128x64xf32, #tpu.memory_space<vmem>> -> memref<1x128x64xf32, #tpu.memory_space<vmem>>
      %dma_wait3A_119 = tpu.memref_squeeze %dma_wait3A_118 : memref<1x128x64xf32, #tpu.memory_space<vmem>> -> memref<128x64xf32, #tpu.memory_space<vmem>>
      %dma_wait3A_120 = arith.constant 0 : i32
      %dma_wait3A_121 = tpu.memref_slice %arg6[%add3A_113, %dma_wait3A_120] : memref<26x128xi32, #tpu.memory_space<vmem>> -> memref<1x128xi32, #tpu.memory_space<vmem>>
      %dma_wait3A_122 = tpu.memref_squeeze %dma_wait3A_121 : memref<1x128xi32, #tpu.memory_space<vmem>> -> memref<128xi32, #tpu.memory_space<vmem>>
      %dma_wait3A_123 = arith.constant 0 : i32
      %dma_wait3A_124 = arith.constant 0 : i32
      %dma_wait3A_125 = tpu.memref_slice %arg2[%dma_wait3A_123, %dma_wait3A_124] : memref<2600000x64xf32, #tpu.memory_space<hbm>> -> memref<2600000x64xf32, #tpu.memory_space<hbm>>
      %dma_wait3A_126 = tpu.memref_slice %arg8[%dma_wait3A_115] : memref<4x!tpu.dma_semaphore, #tpu.memory_space<semaphore_mem>> -> memref<1x!tpu.dma_semaphore, #tpu.memory_space<semaphore_mem>>
      %dma_wait3A_127 = tpu.memref_squeeze %dma_wait3A_126 : memref<1x!tpu.dma_semaphore, #tpu.memory_space<semaphore_mem>> -> memref<!tpu.dma_semaphore, #tpu.memory_space<semaphore_mem>>
      tpu.wait_indirect_dma semaphore(%dma_wait3A_127 : memref<!tpu.dma_semaphore, #tpu.memory_space<semaphore_mem>>) src(%dma_wait3A_125 : memref<2600000x64xf32, #tpu.memory_space<hbm>>) dst(%dma_wait3A_119 : memref<128x64xf32, #tpu.memory_space<vmem>>)
      %mul3A_128 = arith.constant 128 : i32
      %mul3A_129 = arith.muli %add3A_113, %mul3A_128 : i32
      %add3A_130 = arith.addi %mul3A_2, %mul3A_129 : i32
      %run_scoped3A_131 = arith.constant 0 : i32
      "tpu.region"() ({
        %run_scoped3A_223 = tpu.sem_alloc : memref<!tpu.dma_semaphore, #tpu.memory_space<semaphore_mem>>
        %dma_start3A_224 = arith.constant 0 : i32
        %dma_start3A_225 = arith.constant 0 : i32
        %dma_start3A_226 = tpu.memref_slice %arg7[%run_scoped3A_131, %dma_start3A_224, %dma_start3A_225] : memref<4x128x64xf32, #tpu.memory_space<vmem>> -> memref<1x128x64xf32, #tpu.memory_space<vmem>>
        %dma_start3A_227 = tpu.memref_squeeze %dma_start3A_226 : memref<1x128x64xf32, #tpu.memory_space<vmem>> -> memref<128x64xf32, #tpu.memory_space<vmem>>
        %dma_start3A_228 = arith.constant 0 : i32
        %dma_start3A_229 = tpu.memref_slice %arg4[%add3A_130, %dma_start3A_228] : memref<106496x128xf32, #tpu.memory_space<hbm>> -> memref<128x64xf32, #tpu.memory_space<hbm>>
        %dma_start3A_230 = arith.constant 0 : i32
        %dma_start3A_231 = tpu.memref_slice %arg4[%add3A_130, %dma_start3A_230] : memref<106496x128xf32, #tpu.memory_space<hbm>> -> memref<128x64xf32, #tpu.memory_space<hbm>>
        %dma_start3A_232 = arith.constant 0 : i32
        %dma_start3A_233 = arith.constant 0 : i32
        %dma_start3A_234 = tpu.memref_slice %arg7[%run_scoped3A_131, %dma_start3A_232, %dma_start3A_233] : memref<4x128x64xf32, #tpu.memory_space<vmem>> -> memref<1x128x64xf32, #tpu.memory_space<vmem>>
        %dma_start3A_235 = tpu.memref_squeeze %dma_start3A_234 : memref<1x128x64xf32, #tpu.memory_space<vmem>> -> memref<128x64xf32, #tpu.memory_space<vmem>>
        tpu.enqueue_dma source(%dma_start3A_235 : memref<128x64xf32, #tpu.memory_space<vmem>>) target(%dma_start3A_231 : memref<128x64xf32, #tpu.memory_space<hbm>>) target_semaphore(%run_scoped3A_223 : memref<!tpu.dma_semaphore, #tpu.memory_space<semaphore_mem>>)
        %dma_wait3A_236 = arith.constant 0 : i32
        %dma_wait3A_237 = arith.constant 0 : i32
        %dma_wait3A_238 = tpu.memref_slice %arg7[%run_scoped3A_131, %dma_wait3A_236, %dma_wait3A_237] : memref<4x128x64xf32, #tpu.memory_space<vmem>> -> memref<1x128x64xf32, #tpu.memory_space<vmem>>
        %dma_wait3A_239 = tpu.memref_squeeze %dma_wait3A_238 : memref<1x128x64xf32, #tpu.memory_space<vmem>> -> memref<128x64xf32, #tpu.memory_space<vmem>>
        %dma_wait3A_240 = arith.constant 0 : i32
        %dma_wait3A_241 = tpu.memref_slice %arg4[%add3A_130, %dma_wait3A_240] : memref<106496x128xf32, #tpu.memory_space<hbm>> -> memref<128x64xf32, #tpu.memory_space<hbm>>
        %dma_wait3A_242 = arith.constant 0 : i32
        %dma_wait3A_243 = tpu.memref_slice %arg4[%add3A_130, %dma_wait3A_242] : memref<106496x128xf32, #tpu.memory_space<hbm>> -> memref<128x64xf32, #tpu.memory_space<hbm>>
        %dma_wait3A_244 = arith.constant 0 : i32
        %dma_wait3A_245 = arith.constant 0 : i32
        %dma_wait3A_246 = tpu.memref_slice %arg7[%run_scoped3A_131, %dma_wait3A_244, %dma_wait3A_245] : memref<4x128x64xf32, #tpu.memory_space<vmem>> -> memref<1x128x64xf32, #tpu.memory_space<vmem>>
        %dma_wait3A_247 = tpu.memref_squeeze %dma_wait3A_246 : memref<1x128x64xf32, #tpu.memory_space<vmem>> -> memref<128x64xf32, #tpu.memory_space<vmem>>
        tpu.wait_dma2 semaphore(%run_scoped3A_223 : memref<!tpu.dma_semaphore, #tpu.memory_space<semaphore_mem>>) src(%dma_wait3A_247 : memref<128x64xf32, #tpu.memory_space<vmem>>) dst(%dma_wait3A_243 : memref<128x64xf32, #tpu.memory_space<hbm>>)
        tpu.yield
      }) : () -> ()
      %add3A_132 = arith.constant 4 : i32
      %add3A_133 = arith.addi %add3A_113, %add3A_132 : i32
      %lt3A = arith.constant 26 : i32
      %lt3A_134 = arith.cmpi slt, %add3A_133, %lt3A : i32
      %convert_element_type3A = arith.extui %lt3A_134 : i1 to i32
      %cond3A = arith.constant 0 : i32
      %cond3A_135 = arith.cmpi ne, %convert_element_type3A, %cond3A : i32
      scf.if %cond3A_135 {
        %dma_start3A_223 = arith.constant 0 : i32
        %dma_start3A_224 = arith.constant 0 : i32
        %dma_start3A_225 = arith.constant 0 : i32
        %dma_start3A_226 = arith.constant 0 : i32
        %dma_start3A_227 = tpu.memref_slice %arg7[%dma_start3A_223, %dma_start3A_225, %dma_start3A_226] : memref<4x128x64xf32, #tpu.memory_space<vmem>> -> memref<1x128x64xf32, #tpu.memory_space<vmem>>
        %dma_start3A_228 = tpu.memref_squeeze %dma_start3A_227 : memref<1x128x64xf32, #tpu.memory_space<vmem>> -> memref<128x64xf32, #tpu.memory_space<vmem>>
        %dma_start3A_229 = arith.constant 0 : i32
        %dma_start3A_230 = tpu.memref_slice %arg6[%add3A_133, %dma_start3A_229] : memref<26x128xi32, #tpu.memory_space<vmem>> -> memref<1x128xi32, #tpu.memory_space<vmem>>
        %dma_start3A_231 = tpu.memref_squeeze %dma_start3A_230 : memref<1x128xi32, #tpu.memory_space<vmem>> -> memref<128xi32, #tpu.memory_space<vmem>>
        %dma_start3A_232 = arith.constant 0 : i32
        %dma_start3A_233 = arith.constant 0 : i32
        %dma_start3A_234 = tpu.memref_slice %arg2[%dma_start3A_232, %dma_start3A_233] : memref<2600000x64xf32, #tpu.memory_space<hbm>> -> memref<2600000x64xf32, #tpu.memory_space<hbm>>
        %dma_start3A_235 = tpu.memref_slice %arg8[%dma_start3A_224] : memref<4x!tpu.dma_semaphore, #tpu.memory_space<semaphore_mem>> -> memref<1x!tpu.dma_semaphore, #tpu.memory_space<semaphore_mem>>
        %dma_start3A_236 = tpu.memref_squeeze %dma_start3A_235 : memref<1x!tpu.dma_semaphore, #tpu.memory_space<semaphore_mem>> -> memref<!tpu.dma_semaphore, #tpu.memory_space<semaphore_mem>>
        tpu.enqueue_indirect_dma source(%dma_start3A_234 : memref<2600000x64xf32, #tpu.memory_space<hbm>>) target(%dma_start3A_228 : memref<128x64xf32, #tpu.memory_space<vmem>>) offsets(%dma_start3A_231 : memref<128xi32, #tpu.memory_space<vmem>>) semaphore(%dma_start3A_236 : memref<!tpu.dma_semaphore, #tpu.memory_space<semaphore_mem>>)
      } else {
      }
      %mul3A_136 = arith.constant 4 : i32
      %mul3A_137 = arith.muli %add3A_109, %mul3A_136 : i32
      %add3A_138 = arith.constant 1 : i32
      %add3A_139 = arith.addi %mul3A_137, %add3A_138 : i32
      %dma_wait3A_140 = arith.constant 1 : i32
      %dma_wait3A_141 = arith.constant 1 : i32
      %dma_wait3A_142 = arith.constant 0 : i32
      %dma_wait3A_143 = arith.constant 0 : i32
      %dma_wait3A_144 = tpu.memref_slice %arg7[%dma_wait3A_140, %dma_wait3A_142, %dma_wait3A_143] : memref<4x128x64xf32, #tpu.memory_space<vmem>> -> memref<1x128x64xf32, #tpu.memory_space<vmem>>
      %dma_wait3A_145 = tpu.memref_squeeze %dma_wait3A_144 : memref<1x128x64xf32, #tpu.memory_space<vmem>> -> memref<128x64xf32, #tpu.memory_space<vmem>>
      %dma_wait3A_146 = arith.constant 0 : i32
      %dma_wait3A_147 = tpu.memref_slice %arg6[%add3A_139, %dma_wait3A_146] : memref<26x128xi32, #tpu.memory_space<vmem>> -> memref<1x128xi32, #tpu.memory_space<vmem>>
      %dma_wait3A_148 = tpu.memref_squeeze %dma_wait3A_147 : memref<1x128xi32, #tpu.memory_space<vmem>> -> memref<128xi32, #tpu.memory_space<vmem>>
      %dma_wait3A_149 = arith.constant 0 : i32
      %dma_wait3A_150 = arith.constant 0 : i32
      %dma_wait3A_151 = tpu.memref_slice %arg2[%dma_wait3A_149, %dma_wait3A_150] : memref<2600000x64xf32, #tpu.memory_space<hbm>> -> memref<2600000x64xf32, #tpu.memory_space<hbm>>
      %dma_wait3A_152 = tpu.memref_slice %arg8[%dma_wait3A_141] : memref<4x!tpu.dma_semaphore, #tpu.memory_space<semaphore_mem>> -> memref<1x!tpu.dma_semaphore, #tpu.memory_space<semaphore_mem>>
      %dma_wait3A_153 = tpu.memref_squeeze %dma_wait3A_152 : memref<1x!tpu.dma_semaphore, #tpu.memory_space<semaphore_mem>> -> memref<!tpu.dma_semaphore, #tpu.memory_space<semaphore_mem>>
      tpu.wait_indirect_dma semaphore(%dma_wait3A_153 : memref<!tpu.dma_semaphore, #tpu.memory_space<semaphore_mem>>) src(%dma_wait3A_151 : memref<2600000x64xf32, #tpu.memory_space<hbm>>) dst(%dma_wait3A_145 : memref<128x64xf32, #tpu.memory_space<vmem>>)
      %mul3A_154 = arith.constant 128 : i32
      %mul3A_155 = arith.muli %add3A_139, %mul3A_154 : i32
      %add3A_156 = arith.addi %mul3A_2, %mul3A_155 : i32
      %run_scoped3A_157 = arith.constant 1 : i32
      "tpu.region"() ({
        %run_scoped3A_223 = tpu.sem_alloc : memref<!tpu.dma_semaphore, #tpu.memory_space<semaphore_mem>>
        %dma_start3A_224 = arith.constant 0 : i32
        %dma_start3A_225 = arith.constant 0 : i32
        %dma_start3A_226 = tpu.memref_slice %arg7[%run_scoped3A_157, %dma_start3A_224, %dma_start3A_225] : memref<4x128x64xf32, #tpu.memory_space<vmem>> -> memref<1x128x64xf32, #tpu.memory_space<vmem>>
        %dma_start3A_227 = tpu.memref_squeeze %dma_start3A_226 : memref<1x128x64xf32, #tpu.memory_space<vmem>> -> memref<128x64xf32, #tpu.memory_space<vmem>>
        %dma_start3A_228 = arith.constant 0 : i32
        %dma_start3A_229 = tpu.memref_slice %arg4[%add3A_156, %dma_start3A_228] : memref<106496x128xf32, #tpu.memory_space<hbm>> -> memref<128x64xf32, #tpu.memory_space<hbm>>
        %dma_start3A_230 = arith.constant 0 : i32
        %dma_start3A_231 = tpu.memref_slice %arg4[%add3A_156, %dma_start3A_230] : memref<106496x128xf32, #tpu.memory_space<hbm>> -> memref<128x64xf32, #tpu.memory_space<hbm>>
        %dma_start3A_232 = arith.constant 0 : i32
        %dma_start3A_233 = arith.constant 0 : i32
        %dma_start3A_234 = tpu.memref_slice %arg7[%run_scoped3A_157, %dma_start3A_232, %dma_start3A_233] : memref<4x128x64xf32, #tpu.memory_space<vmem>> -> memref<1x128x64xf32, #tpu.memory_space<vmem>>
        %dma_start3A_235 = tpu.memref_squeeze %dma_start3A_234 : memref<1x128x64xf32, #tpu.memory_space<vmem>> -> memref<128x64xf32, #tpu.memory_space<vmem>>
        tpu.enqueue_dma source(%dma_start3A_235 : memref<128x64xf32, #tpu.memory_space<vmem>>) target(%dma_start3A_231 : memref<128x64xf32, #tpu.memory_space<hbm>>) target_semaphore(%run_scoped3A_223 : memref<!tpu.dma_semaphore, #tpu.memory_space<semaphore_mem>>)
        %dma_wait3A_236 = arith.constant 0 : i32
        %dma_wait3A_237 = arith.constant 0 : i32
        %dma_wait3A_238 = tpu.memref_slice %arg7[%run_scoped3A_157, %dma_wait3A_236, %dma_wait3A_237] : memref<4x128x64xf32, #tpu.memory_space<vmem>> -> memref<1x128x64xf32, #tpu.memory_space<vmem>>
        %dma_wait3A_239 = tpu.memref_squeeze %dma_wait3A_238 : memref<1x128x64xf32, #tpu.memory_space<vmem>> -> memref<128x64xf32, #tpu.memory_space<vmem>>
        %dma_wait3A_240 = arith.constant 0 : i32
        %dma_wait3A_241 = tpu.memref_slice %arg4[%add3A_156, %dma_wait3A_240] : memref<106496x128xf32, #tpu.memory_space<hbm>> -> memref<128x64xf32, #tpu.memory_space<hbm>>
        %dma_wait3A_242 = arith.constant 0 : i32
        %dma_wait3A_243 = tpu.memref_slice %arg4[%add3A_156, %dma_wait3A_242] : memref<106496x128xf32, #tpu.memory_space<hbm>> -> memref<128x64xf32, #tpu.memory_space<hbm>>
        %dma_wait3A_244 = arith.constant 0 : i32
        %dma_wait3A_245 = arith.constant 0 : i32
        %dma_wait3A_246 = tpu.memref_slice %arg7[%run_scoped3A_157, %dma_wait3A_244, %dma_wait3A_245] : memref<4x128x64xf32, #tpu.memory_space<vmem>> -> memref<1x128x64xf32, #tpu.memory_space<vmem>>
        %dma_wait3A_247 = tpu.memref_squeeze %dma_wait3A_246 : memref<1x128x64xf32, #tpu.memory_space<vmem>> -> memref<128x64xf32, #tpu.memory_space<vmem>>
        tpu.wait_dma2 semaphore(%run_scoped3A_223 : memref<!tpu.dma_semaphore, #tpu.memory_space<semaphore_mem>>) src(%dma_wait3A_247 : memref<128x64xf32, #tpu.memory_space<vmem>>) dst(%dma_wait3A_243 : memref<128x64xf32, #tpu.memory_space<hbm>>)
        tpu.yield
      }) : () -> ()
      %add3A_158 = arith.constant 4 : i32
      %add3A_159 = arith.addi %add3A_139, %add3A_158 : i32
      %lt3A_160 = arith.constant 26 : i32
      %lt3A_161 = arith.cmpi slt, %add3A_159, %lt3A_160 : i32
      %convert_element_type3A_162 = arith.extui %lt3A_161 : i1 to i32
      %cond3A_163 = arith.constant 0 : i32
      %cond3A_164 = arith.cmpi ne, %convert_element_type3A_162, %cond3A_163 : i32
      scf.if %cond3A_164 {
        %dma_start3A_223 = arith.constant 1 : i32
        %dma_start3A_224 = arith.constant 1 : i32
        %dma_start3A_225 = arith.constant 0 : i32
        %dma_start3A_226 = arith.constant 0 : i32
        %dma_start3A_227 = tpu.memref_slice %arg7[%dma_start3A_223, %dma_start3A_225, %dma_start3A_226] : memref<4x128x64xf32, #tpu.memory_space<vmem>> -> memref<1x128x64xf32, #tpu.memory_space<vmem>>
        %dma_start3A_228 = tpu.memref_squeeze %dma_start3A_227 : memref<1x128x64xf32, #tpu.memory_space<vmem>> -> memref<128x64xf32, #tpu.memory_space<vmem>>
        %dma_start3A_229 = arith.constant 0 : i32
        %dma_start3A_230 = tpu.memref_slice %arg6[%add3A_159, %dma_start3A_229] : memref<26x128xi32, #tpu.memory_space<vmem>> -> memref<1x128xi32, #tpu.memory_space<vmem>>
        %dma_start3A_231 = tpu.memref_squeeze %dma_start3A_230 : memref<1x128xi32, #tpu.memory_space<vmem>> -> memref<128xi32, #tpu.memory_space<vmem>>
        %dma_start3A_232 = arith.constant 0 : i32
        %dma_start3A_233 = arith.constant 0 : i32
        %dma_start3A_234 = tpu.memref_slice %arg2[%dma_start3A_232, %dma_start3A_233] : memref<2600000x64xf32, #tpu.memory_space<hbm>> -> memref<2600000x64xf32, #tpu.memory_space<hbm>>
        %dma_start3A_235 = tpu.memref_slice %arg8[%dma_start3A_224] : memref<4x!tpu.dma_semaphore, #tpu.memory_space<semaphore_mem>> -> memref<1x!tpu.dma_semaphore, #tpu.memory_space<semaphore_mem>>
        %dma_start3A_236 = tpu.memref_squeeze %dma_start3A_235 : memref<1x!tpu.dma_semaphore, #tpu.memory_space<semaphore_mem>> -> memref<!tpu.dma_semaphore, #tpu.memory_space<semaphore_mem>>
        tpu.enqueue_indirect_dma source(%dma_start3A_234 : memref<2600000x64xf32, #tpu.memory_space<hbm>>) target(%dma_start3A_228 : memref<128x64xf32, #tpu.memory_space<vmem>>) offsets(%dma_start3A_231 : memref<128xi32, #tpu.memory_space<vmem>>) semaphore(%dma_start3A_236 : memref<!tpu.dma_semaphore, #tpu.memory_space<semaphore_mem>>)
      } else {
      }
      %mul3A_165 = arith.constant 4 : i32
      %mul3A_166 = arith.muli %add3A_109, %mul3A_165 : i32
      %add3A_167 = arith.constant 2 : i32
      %add3A_168 = arith.addi %mul3A_166, %add3A_167 : i32
      %dma_wait3A_169 = arith.constant 2 : i32
      %dma_wait3A_170 = arith.constant 2 : i32
      %dma_wait3A_171 = arith.constant 0 : i32
      %dma_wait3A_172 = arith.constant 0 : i32
      %dma_wait3A_173 = tpu.memref_slice %arg7[%dma_wait3A_169, %dma_wait3A_171, %dma_wait3A_172] : memref<4x128x64xf32, #tpu.memory_space<vmem>> -> memref<1x128x64xf32, #tpu.memory_space<vmem>>
      %dma_wait3A_174 = tpu.memref_squeeze %dma_wait3A_173 : memref<1x128x64xf32, #tpu.memory_space<vmem>> -> memref<128x64xf32, #tpu.memory_space<vmem>>
      %dma_wait3A_175 = arith.constant 0 : i32
      %dma_wait3A_176 = tpu.memref_slice %arg6[%add3A_168, %dma_wait3A_175] : memref<26x128xi32, #tpu.memory_space<vmem>> -> memref<1x128xi32, #tpu.memory_space<vmem>>
      %dma_wait3A_177 = tpu.memref_squeeze %dma_wait3A_176 : memref<1x128xi32, #tpu.memory_space<vmem>> -> memref<128xi32, #tpu.memory_space<vmem>>
      %dma_wait3A_178 = arith.constant 0 : i32
      %dma_wait3A_179 = arith.constant 0 : i32
      %dma_wait3A_180 = tpu.memref_slice %arg2[%dma_wait3A_178, %dma_wait3A_179] : memref<2600000x64xf32, #tpu.memory_space<hbm>> -> memref<2600000x64xf32, #tpu.memory_space<hbm>>
      %dma_wait3A_181 = tpu.memref_slice %arg8[%dma_wait3A_170] : memref<4x!tpu.dma_semaphore, #tpu.memory_space<semaphore_mem>> -> memref<1x!tpu.dma_semaphore, #tpu.memory_space<semaphore_mem>>
      %dma_wait3A_182 = tpu.memref_squeeze %dma_wait3A_181 : memref<1x!tpu.dma_semaphore, #tpu.memory_space<semaphore_mem>> -> memref<!tpu.dma_semaphore, #tpu.memory_space<semaphore_mem>>
      tpu.wait_indirect_dma semaphore(%dma_wait3A_182 : memref<!tpu.dma_semaphore, #tpu.memory_space<semaphore_mem>>) src(%dma_wait3A_180 : memref<2600000x64xf32, #tpu.memory_space<hbm>>) dst(%dma_wait3A_174 : memref<128x64xf32, #tpu.memory_space<vmem>>)
      %mul3A_183 = arith.constant 128 : i32
      %mul3A_184 = arith.muli %add3A_168, %mul3A_183 : i32
      %add3A_185 = arith.addi %mul3A_2, %mul3A_184 : i32
      %run_scoped3A_186 = arith.constant 2 : i32
      "tpu.region"() ({
        %run_scoped3A_223 = tpu.sem_alloc : memref<!tpu.dma_semaphore, #tpu.memory_space<semaphore_mem>>
        %dma_start3A_224 = arith.constant 0 : i32
        %dma_start3A_225 = arith.constant 0 : i32
        %dma_start3A_226 = tpu.memref_slice %arg7[%run_scoped3A_186, %dma_start3A_224, %dma_start3A_225] : memref<4x128x64xf32, #tpu.memory_space<vmem>> -> memref<1x128x64xf32, #tpu.memory_space<vmem>>
        %dma_start3A_227 = tpu.memref_squeeze %dma_start3A_226 : memref<1x128x64xf32, #tpu.memory_space<vmem>> -> memref<128x64xf32, #tpu.memory_space<vmem>>
        %dma_start3A_228 = arith.constant 0 : i32
        %dma_start3A_229 = tpu.memref_slice %arg4[%add3A_185, %dma_start3A_228] : memref<106496x128xf32, #tpu.memory_space<hbm>> -> memref<128x64xf32, #tpu.memory_space<hbm>>
        %dma_start3A_230 = arith.constant 0 : i32
        %dma_start3A_231 = tpu.memref_slice %arg4[%add3A_185, %dma_start3A_230] : memref<106496x128xf32, #tpu.memory_space<hbm>> -> memref<128x64xf32, #tpu.memory_space<hbm>>
        %dma_start3A_232 = arith.constant 0 : i32
        %dma_start3A_233 = arith.constant 0 : i32
        %dma_start3A_234 = tpu.memref_slice %arg7[%run_scoped3A_186, %dma_start3A_232, %dma_start3A_233] : memref<4x128x64xf32, #tpu.memory_space<vmem>> -> memref<1x128x64xf32, #tpu.memory_space<vmem>>
        %dma_start3A_235 = tpu.memref_squeeze %dma_start3A_234 : memref<1x128x64xf32, #tpu.memory_space<vmem>> -> memref<128x64xf32, #tpu.memory_space<vmem>>
        tpu.enqueue_dma source(%dma_start3A_235 : memref<128x64xf32, #tpu.memory_space<vmem>>) target(%dma_start3A_231 : memref<128x64xf32, #tpu.memory_space<hbm>>) target_semaphore(%run_scoped3A_223 : memref<!tpu.dma_semaphore, #tpu.memory_space<semaphore_mem>>)
        %dma_wait3A_236 = arith.constant 0 : i32
        %dma_wait3A_237 = arith.constant 0 : i32
        %dma_wait3A_238 = tpu.memref_slice %arg7[%run_scoped3A_186, %dma_wait3A_236, %dma_wait3A_237] : memref<4x128x64xf32, #tpu.memory_space<vmem>> -> memref<1x128x64xf32, #tpu.memory_space<vmem>>
        %dma_wait3A_239 = tpu.memref_squeeze %dma_wait3A_238 : memref<1x128x64xf32, #tpu.memory_space<vmem>> -> memref<128x64xf32, #tpu.memory_space<vmem>>
        %dma_wait3A_240 = arith.constant 0 : i32
        %dma_wait3A_241 = tpu.memref_slice %arg4[%add3A_185, %dma_wait3A_240] : memref<106496x128xf32, #tpu.memory_space<hbm>> -> memref<128x64xf32, #tpu.memory_space<hbm>>
        %dma_wait3A_242 = arith.constant 0 : i32
        %dma_wait3A_243 = tpu.memref_slice %arg4[%add3A_185, %dma_wait3A_242] : memref<106496x128xf32, #tpu.memory_space<hbm>> -> memref<128x64xf32, #tpu.memory_space<hbm>>
        %dma_wait3A_244 = arith.constant 0 : i32
        %dma_wait3A_245 = arith.constant 0 : i32
        %dma_wait3A_246 = tpu.memref_slice %arg7[%run_scoped3A_186, %dma_wait3A_244, %dma_wait3A_245] : memref<4x128x64xf32, #tpu.memory_space<vmem>> -> memref<1x128x64xf32, #tpu.memory_space<vmem>>
        %dma_wait3A_247 = tpu.memref_squeeze %dma_wait3A_246 : memref<1x128x64xf32, #tpu.memory_space<vmem>> -> memref<128x64xf32, #tpu.memory_space<vmem>>
        tpu.wait_dma2 semaphore(%run_scoped3A_223 : memref<!tpu.dma_semaphore, #tpu.memory_space<semaphore_mem>>) src(%dma_wait3A_247 : memref<128x64xf32, #tpu.memory_space<vmem>>) dst(%dma_wait3A_243 : memref<128x64xf32, #tpu.memory_space<hbm>>)
        tpu.yield
      }) : () -> ()
      %add3A_187 = arith.constant 4 : i32
      %add3A_188 = arith.addi %add3A_168, %add3A_187 : i32
      %lt3A_189 = arith.constant 26 : i32
      %lt3A_190 = arith.cmpi slt, %add3A_188, %lt3A_189 : i32
      %convert_element_type3A_191 = arith.extui %lt3A_190 : i1 to i32
      %cond3A_192 = arith.constant 0 : i32
      %cond3A_193 = arith.cmpi ne, %convert_element_type3A_191, %cond3A_192 : i32
      scf.if %cond3A_193 {
        %dma_start3A_223 = arith.constant 2 : i32
        %dma_start3A_224 = arith.constant 2 : i32
        %dma_start3A_225 = arith.constant 0 : i32
        %dma_start3A_226 = arith.constant 0 : i32
        %dma_start3A_227 = tpu.memref_slice %arg7[%dma_start3A_223, %dma_start3A_225, %dma_start3A_226] : memref<4x128x64xf32, #tpu.memory_space<vmem>> -> memref<1x128x64xf32, #tpu.memory_space<vmem>>
        %dma_start3A_228 = tpu.memref_squeeze %dma_start3A_227 : memref<1x128x64xf32, #tpu.memory_space<vmem>> -> memref<128x64xf32, #tpu.memory_space<vmem>>
        %dma_start3A_229 = arith.constant 0 : i32
        %dma_start3A_230 = tpu.memref_slice %arg6[%add3A_188, %dma_start3A_229] : memref<26x128xi32, #tpu.memory_space<vmem>> -> memref<1x128xi32, #tpu.memory_space<vmem>>
        %dma_start3A_231 = tpu.memref_squeeze %dma_start3A_230 : memref<1x128xi32, #tpu.memory_space<vmem>> -> memref<128xi32, #tpu.memory_space<vmem>>
        %dma_start3A_232 = arith.constant 0 : i32
        %dma_start3A_233 = arith.constant 0 : i32
        %dma_start3A_234 = tpu.memref_slice %arg2[%dma_start3A_232, %dma_start3A_233] : memref<2600000x64xf32, #tpu.memory_space<hbm>> -> memref<2600000x64xf32, #tpu.memory_space<hbm>>
        %dma_start3A_235 = tpu.memref_slice %arg8[%dma_start3A_224] : memref<4x!tpu.dma_semaphore, #tpu.memory_space<semaphore_mem>> -> memref<1x!tpu.dma_semaphore, #tpu.memory_space<semaphore_mem>>
        %dma_start3A_236 = tpu.memref_squeeze %dma_start3A_235 : memref<1x!tpu.dma_semaphore, #tpu.memory_space<semaphore_mem>> -> memref<!tpu.dma_semaphore, #tpu.memory_space<semaphore_mem>>
        tpu.enqueue_indirect_dma source(%dma_start3A_234 : memref<2600000x64xf32, #tpu.memory_space<hbm>>) target(%dma_start3A_228 : memref<128x64xf32, #tpu.memory_space<vmem>>) offsets(%dma_start3A_231 : memref<128xi32, #tpu.memory_space<vmem>>) semaphore(%dma_start3A_236 : memref<!tpu.dma_semaphore, #tpu.memory_space<semaphore_mem>>)
      } else {
      }
      %mul3A_194 = arith.constant 4 : i32
      %mul3A_195 = arith.muli %add3A_109, %mul3A_194 : i32
      %add3A_196 = arith.constant 3 : i32
      %add3A_197 = arith.addi %mul3A_195, %add3A_196 : i32
      %dma_wait3A_198 = arith.constant 3 : i32
      %dma_wait3A_199 = arith.constant 3 : i32
      %dma_wait3A_200 = arith.constant 0 : i32
      %dma_wait3A_201 = arith.constant 0 : i32
      %dma_wait3A_202 = tpu.memref_slice %arg7[%dma_wait3A_198, %dma_wait3A_200, %dma_wait3A_201] : memref<4x128x64xf32, #tpu.memory_space<vmem>> -> memref<1x128x64xf32, #tpu.memory_space<vmem>>
      %dma_wait3A_203 = tpu.memref_squeeze %dma_wait3A_202 : memref<1x128x64xf32, #tpu.memory_space<vmem>> -> memref<128x64xf32, #tpu.memory_space<vmem>>
      %dma_wait3A_204 = arith.constant 0 : i32
      %dma_wait3A_205 = tpu.memref_slice %arg6[%add3A_197, %dma_wait3A_204] : memref<26x128xi32, #tpu.memory_space<vmem>> -> memref<1x128xi32, #tpu.memory_space<vmem>>
      %dma_wait3A_206 = tpu.memref_squeeze %dma_wait3A_205 : memref<1x128xi32, #tpu.memory_space<vmem>> -> memref<128xi32, #tpu.memory_space<vmem>>
      %dma_wait3A_207 = arith.constant 0 : i32
      %dma_wait3A_208 = arith.constant 0 : i32
      %dma_wait3A_209 = tpu.memref_slice %arg2[%dma_wait3A_207, %dma_wait3A_208] : memref<2600000x64xf32, #tpu.memory_space<hbm>> -> memref<2600000x64xf32, #tpu.memory_space<hbm>>
      %dma_wait3A_210 = tpu.memref_slice %arg8[%dma_wait3A_199] : memref<4x!tpu.dma_semaphore, #tpu.memory_space<semaphore_mem>> -> memref<1x!tpu.dma_semaphore, #tpu.memory_space<semaphore_mem>>
      %dma_wait3A_211 = tpu.memref_squeeze %dma_wait3A_210 : memref<1x!tpu.dma_semaphore, #tpu.memory_space<semaphore_mem>> -> memref<!tpu.dma_semaphore, #tpu.memory_space<semaphore_mem>>
      tpu.wait_indirect_dma semaphore(%dma_wait3A_211 : memref<!tpu.dma_semaphore, #tpu.memory_space<semaphore_mem>>) src(%dma_wait3A_209 : memref<2600000x64xf32, #tpu.memory_space<hbm>>) dst(%dma_wait3A_203 : memref<128x64xf32, #tpu.memory_space<vmem>>)
      %mul3A_212 = arith.constant 128 : i32
      %mul3A_213 = arith.muli %add3A_197, %mul3A_212 : i32
      %add3A_214 = arith.addi %mul3A_2, %mul3A_213 : i32
      %run_scoped3A_215 = arith.constant 3 : i32
      "tpu.region"() ({
        %run_scoped3A_223 = tpu.sem_alloc : memref<!tpu.dma_semaphore, #tpu.memory_space<semaphore_mem>>
        %dma_start3A_224 = arith.constant 0 : i32
        %dma_start3A_225 = arith.constant 0 : i32
        %dma_start3A_226 = tpu.memref_slice %arg7[%run_scoped3A_215, %dma_start3A_224, %dma_start3A_225] : memref<4x128x64xf32, #tpu.memory_space<vmem>> -> memref<1x128x64xf32, #tpu.memory_space<vmem>>
        %dma_start3A_227 = tpu.memref_squeeze %dma_start3A_226 : memref<1x128x64xf32, #tpu.memory_space<vmem>> -> memref<128x64xf32, #tpu.memory_space<vmem>>
        %dma_start3A_228 = arith.constant 0 : i32
        %dma_start3A_229 = tpu.memref_slice %arg4[%add3A_214, %dma_start3A_228] : memref<106496x128xf32, #tpu.memory_space<hbm>> -> memref<128x64xf32, #tpu.memory_space<hbm>>
        %dma_start3A_230 = arith.constant 0 : i32
        %dma_start3A_231 = tpu.memref_slice %arg4[%add3A_214, %dma_start3A_230] : memref<106496x128xf32, #tpu.memory_space<hbm>> -> memref<128x64xf32, #tpu.memory_space<hbm>>
        %dma_start3A_232 = arith.constant 0 : i32
        %dma_start3A_233 = arith.constant 0 : i32
        %dma_start3A_234 = tpu.memref_slice %arg7[%run_scoped3A_215, %dma_start3A_232, %dma_start3A_233] : memref<4x128x64xf32, #tpu.memory_space<vmem>> -> memref<1x128x64xf32, #tpu.memory_space<vmem>>
        %dma_start3A_235 = tpu.memref_squeeze %dma_start3A_234 : memref<1x128x64xf32, #tpu.memory_space<vmem>> -> memref<128x64xf32, #tpu.memory_space<vmem>>
        tpu.enqueue_dma source(%dma_start3A_235 : memref<128x64xf32, #tpu.memory_space<vmem>>) target(%dma_start3A_231 : memref<128x64xf32, #tpu.memory_space<hbm>>) target_semaphore(%run_scoped3A_223 : memref<!tpu.dma_semaphore, #tpu.memory_space<semaphore_mem>>)
        %dma_wait3A_236 = arith.constant 0 : i32
        %dma_wait3A_237 = arith.constant 0 : i32
        %dma_wait3A_238 = tpu.memref_slice %arg7[%run_scoped3A_215, %dma_wait3A_236, %dma_wait3A_237] : memref<4x128x64xf32, #tpu.memory_space<vmem>> -> memref<1x128x64xf32, #tpu.memory_space<vmem>>
        %dma_wait3A_239 = tpu.memref_squeeze %dma_wait3A_238 : memref<1x128x64xf32, #tpu.memory_space<vmem>> -> memref<128x64xf32, #tpu.memory_space<vmem>>
        %dma_wait3A_240 = arith.constant 0 : i32
        %dma_wait3A_241 = tpu.memref_slice %arg4[%add3A_214, %dma_wait3A_240] : memref<106496x128xf32, #tpu.memory_space<hbm>> -> memref<128x64xf32, #tpu.memory_space<hbm>>
        %dma_wait3A_242 = arith.constant 0 : i32
        %dma_wait3A_243 = tpu.memref_slice %arg4[%add3A_214, %dma_wait3A_242] : memref<106496x128xf32, #tpu.memory_space<hbm>> -> memref<128x64xf32, #tpu.memory_space<hbm>>
        %dma_wait3A_244 = arith.constant 0 : i32
        %dma_wait3A_245 = arith.constant 0 : i32
        %dma_wait3A_246 = tpu.memref_slice %arg7[%run_scoped3A_215, %dma_wait3A_244, %dma_wait3A_245] : memref<4x128x64xf32, #tpu.memory_space<vmem>> -> memref<1x128x64xf32, #tpu.memory_space<vmem>>
        %dma_wait3A_247 = tpu.memref_squeeze %dma_wait3A_246 : memref<1x128x64xf32, #tpu.memory_space<vmem>> -> memref<128x64xf32, #tpu.memory_space<vmem>>
        tpu.wait_dma2 semaphore(%run_scoped3A_223 : memref<!tpu.dma_semaphore, #tpu.memory_space<semaphore_mem>>) src(%dma_wait3A_247 : memref<128x64xf32, #tpu.memory_space<vmem>>) dst(%dma_wait3A_243 : memref<128x64xf32, #tpu.memory_space<hbm>>)
        tpu.yield
      }) : () -> ()
      %add3A_216 = arith.constant 4 : i32
      %add3A_217 = arith.addi %add3A_197, %add3A_216 : i32
      %lt3A_218 = arith.constant 26 : i32
      %lt3A_219 = arith.cmpi slt, %add3A_217, %lt3A_218 : i32
      %convert_element_type3A_220 = arith.extui %lt3A_219 : i1 to i32
      %cond3A_221 = arith.constant 0 : i32
      %cond3A_222 = arith.cmpi ne, %convert_element_type3A_220, %cond3A_221 : i32
      scf.if %cond3A_222 {
        %dma_start3A_223 = arith.constant 3 : i32
        %dma_start3A_224 = arith.constant 3 : i32
        %dma_start3A_225 = arith.constant 0 : i32
        %dma_start3A_226 = arith.constant 0 : i32
        %dma_start3A_227 = tpu.memref_slice %arg7[%dma_start3A_223, %dma_start3A_225, %dma_start3A_226] : memref<4x128x64xf32, #tpu.memory_space<vmem>> -> memref<1x128x64xf32, #tpu.memory_space<vmem>>
        %dma_start3A_228 = tpu.memref_squeeze %dma_start3A_227 : memref<1x128x64xf32, #tpu.memory_space<vmem>> -> memref<128x64xf32, #tpu.memory_space<vmem>>
        %dma_start3A_229 = arith.constant 0 : i32
        %dma_start3A_230 = tpu.memref_slice %arg6[%add3A_217, %dma_start3A_229] : memref<26x128xi32, #tpu.memory_space<vmem>> -> memref<1x128xi32, #tpu.memory_space<vmem>>
        %dma_start3A_231 = tpu.memref_squeeze %dma_start3A_230 : memref<1x128xi32, #tpu.memory_space<vmem>> -> memref<128xi32, #tpu.memory_space<vmem>>
        %dma_start3A_232 = arith.constant 0 : i32
        %dma_start3A_233 = arith.constant 0 : i32
        %dma_start3A_234 = tpu.memref_slice %arg2[%dma_start3A_232, %dma_start3A_233] : memref<2600000x64xf32, #tpu.memory_space<hbm>> -> memref<2600000x64xf32, #tpu.memory_space<hbm>>
        %dma_start3A_235 = tpu.memref_slice %arg8[%dma_start3A_224] : memref<4x!tpu.dma_semaphore, #tpu.memory_space<semaphore_mem>> -> memref<1x!tpu.dma_semaphore, #tpu.memory_space<semaphore_mem>>
        %dma_start3A_236 = tpu.memref_squeeze %dma_start3A_235 : memref<1x!tpu.dma_semaphore, #tpu.memory_space<semaphore_mem>> -> memref<!tpu.dma_semaphore, #tpu.memory_space<semaphore_mem>>
        tpu.enqueue_indirect_dma source(%dma_start3A_234 : memref<2600000x64xf32, #tpu.memory_space<hbm>>) target(%dma_start3A_228 : memref<128x64xf32, #tpu.memory_space<vmem>>) offsets(%dma_start3A_231 : memref<128xi32, #tpu.memory_space<vmem>>) semaphore(%dma_start3A_236 : memref<!tpu.dma_semaphore, #tpu.memory_space<semaphore_mem>>)
      } else {
      }
    }
    %scan3A_70 = arith.constant 6 : i32
    %dma_wait3A = arith.constant 24 : i32
    %dma_wait3A_71 = arith.constant 0 : i32
    %dma_wait3A_72 = arith.constant 0 : i32
    %dma_wait3A_73 = arith.constant 0 : i32
    %dma_wait3A_74 = arith.constant 0 : i32
    %dma_wait3A_75 = tpu.memref_slice %arg7[%dma_wait3A_71, %dma_wait3A_73, %dma_wait3A_74] : memref<4x128x64xf32, #tpu.memory_space<vmem>> -> memref<1x128x64xf32, #tpu.memory_space<vmem>>
    %dma_wait3A_76 = tpu.memref_squeeze %dma_wait3A_75 : memref<1x128x64xf32, #tpu.memory_space<vmem>> -> memref<128x64xf32, #tpu.memory_space<vmem>>
    %dma_wait3A_77 = arith.constant 0 : i32
    %dma_wait3A_78 = tpu.memref_slice %arg6[%dma_wait3A, %dma_wait3A_77] : memref<26x128xi32, #tpu.memory_space<vmem>> -> memref<1x128xi32, #tpu.memory_space<vmem>>
    %dma_wait3A_79 = tpu.memref_squeeze %dma_wait3A_78 : memref<1x128xi32, #tpu.memory_space<vmem>> -> memref<128xi32, #tpu.memory_space<vmem>>
    %dma_wait3A_80 = arith.constant 0 : i32
    %dma_wait3A_81 = arith.constant 0 : i32
    %dma_wait3A_82 = tpu.memref_slice %arg2[%dma_wait3A_80, %dma_wait3A_81] : memref<2600000x64xf32, #tpu.memory_space<hbm>> -> memref<2600000x64xf32, #tpu.memory_space<hbm>>
    %dma_wait3A_83 = tpu.memref_slice %arg8[%dma_wait3A_72] : memref<4x!tpu.dma_semaphore, #tpu.memory_space<semaphore_mem>> -> memref<1x!tpu.dma_semaphore, #tpu.memory_space<semaphore_mem>>
    %dma_wait3A_84 = tpu.memref_squeeze %dma_wait3A_83 : memref<1x!tpu.dma_semaphore, #tpu.memory_space<semaphore_mem>> -> memref<!tpu.dma_semaphore, #tpu.memory_space<semaphore_mem>>
    tpu.wait_indirect_dma semaphore(%dma_wait3A_84 : memref<!tpu.dma_semaphore, #tpu.memory_space<semaphore_mem>>) src(%dma_wait3A_82 : memref<2600000x64xf32, #tpu.memory_space<hbm>>) dst(%dma_wait3A_76 : memref<128x64xf32, #tpu.memory_space<vmem>>)
    %add3A_85 = arith.constant 3072 : i32
    %add3A_86 = arith.addi %mul3A_2, %add3A_85 : i32
    %run_scoped3A = arith.constant 0 : i32
    "tpu.region"() ({
      %run_scoped3A_105 = tpu.sem_alloc : memref<!tpu.dma_semaphore, #tpu.memory_space<semaphore_mem>>
      %dma_start3A_106 = arith.constant 0 : i32
      %dma_start3A_107 = arith.constant 0 : i32
      %dma_start3A_108 = tpu.memref_slice %arg7[%run_scoped3A, %dma_start3A_106, %dma_start3A_107] : memref<4x128x64xf32, #tpu.memory_space<vmem>> -> memref<1x128x64xf32, #tpu.memory_space<vmem>>
      %dma_start3A_109 = tpu.memref_squeeze %dma_start3A_108 : memref<1x128x64xf32, #tpu.memory_space<vmem>> -> memref<128x64xf32, #tpu.memory_space<vmem>>
      %dma_start3A_110 = arith.constant 0 : i32
      %dma_start3A_111 = tpu.memref_slice %arg4[%add3A_86, %dma_start3A_110] : memref<106496x128xf32, #tpu.memory_space<hbm>> -> memref<128x64xf32, #tpu.memory_space<hbm>>
      %dma_start3A_112 = arith.constant 0 : i32
      %dma_start3A_113 = tpu.memref_slice %arg4[%add3A_86, %dma_start3A_112] : memref<106496x128xf32, #tpu.memory_space<hbm>> -> memref<128x64xf32, #tpu.memory_space<hbm>>
      %dma_start3A_114 = arith.constant 0 : i32
      %dma_start3A_115 = arith.constant 0 : i32
      %dma_start3A_116 = tpu.memref_slice %arg7[%run_scoped3A, %dma_start3A_114, %dma_start3A_115] : memref<4x128x64xf32, #tpu.memory_space<vmem>> -> memref<1x128x64xf32, #tpu.memory_space<vmem>>
      %dma_start3A_117 = tpu.memref_squeeze %dma_start3A_116 : memref<1x128x64xf32, #tpu.memory_space<vmem>> -> memref<128x64xf32, #tpu.memory_space<vmem>>
      tpu.enqueue_dma source(%dma_start3A_117 : memref<128x64xf32, #tpu.memory_space<vmem>>) target(%dma_start3A_113 : memref<128x64xf32, #tpu.memory_space<hbm>>) target_semaphore(%run_scoped3A_105 : memref<!tpu.dma_semaphore, #tpu.memory_space<semaphore_mem>>)
      %dma_wait3A_118 = arith.constant 0 : i32
      %dma_wait3A_119 = arith.constant 0 : i32
      %dma_wait3A_120 = tpu.memref_slice %arg7[%run_scoped3A, %dma_wait3A_118, %dma_wait3A_119] : memref<4x128x64xf32, #tpu.memory_space<vmem>> -> memref<1x128x64xf32, #tpu.memory_space<vmem>>
      %dma_wait3A_121 = tpu.memref_squeeze %dma_wait3A_120 : memref<1x128x64xf32, #tpu.memory_space<vmem>> -> memref<128x64xf32, #tpu.memory_space<vmem>>
      %dma_wait3A_122 = arith.constant 0 : i32
      %dma_wait3A_123 = tpu.memref_slice %arg4[%add3A_86, %dma_wait3A_122] : memref<106496x128xf32, #tpu.memory_space<hbm>> -> memref<128x64xf32, #tpu.memory_space<hbm>>
      %dma_wait3A_124 = arith.constant 0 : i32
      %dma_wait3A_125 = tpu.memref_slice %arg4[%add3A_86, %dma_wait3A_124] : memref<106496x128xf32, #tpu.memory_space<hbm>> -> memref<128x64xf32, #tpu.memory_space<hbm>>
      %dma_wait3A_126 = arith.constant 0 : i32
      %dma_wait3A_127 = arith.constant 0 : i32
      %dma_wait3A_128 = tpu.memref_slice %arg7[%run_scoped3A, %dma_wait3A_126, %dma_wait3A_127] : memref<4x128x64xf32, #tpu.memory_space<vmem>> -> memref<1x128x64xf32, #tpu.memory_space<vmem>>
      %dma_wait3A_129 = tpu.memref_squeeze %dma_wait3A_128 : memref<1x128x64xf32, #tpu.memory_space<vmem>> -> memref<128x64xf32, #tpu.memory_space<vmem>>
      tpu.wait_dma2 semaphore(%run_scoped3A_105 : memref<!tpu.dma_semaphore, #tpu.memory_space<semaphore_mem>>) src(%dma_wait3A_129 : memref<128x64xf32, #tpu.memory_space<vmem>>) dst(%dma_wait3A_125 : memref<128x64xf32, #tpu.memory_space<hbm>>)
      tpu.yield
    }) : () -> ()
    %dma_wait3A_87 = arith.constant 25 : i32
    %dma_wait3A_88 = arith.constant 1 : i32
    %dma_wait3A_89 = arith.constant 1 : i32
    %dma_wait3A_90 = arith.constant 0 : i32
    %dma_wait3A_91 = arith.constant 0 : i32
    %dma_wait3A_92 = tpu.memref_slice %arg7[%dma_wait3A_88, %dma_wait3A_90, %dma_wait3A_91] : memref<4x128x64xf32, #tpu.memory_space<vmem>> -> memref<1x128x64xf32, #tpu.memory_space<vmem>>
    %dma_wait3A_93 = tpu.memref_squeeze %dma_wait3A_92 : memref<1x128x64xf32, #tpu.memory_space<vmem>> -> memref<128x64xf32, #tpu.memory_space<vmem>>
    %dma_wait3A_94 = arith.constant 0 : i32
    %dma_wait3A_95 = tpu.memref_slice %arg6[%dma_wait3A_87, %dma_wait3A_94] : memref<26x128xi32, #tpu.memory_space<vmem>> -> memref<1x128xi32, #tpu.memory_space<vmem>>
    %dma_wait3A_96 = tpu.memref_squeeze %dma_wait3A_95 : memref<1x128xi32, #tpu.memory_space<vmem>> -> memref<128xi32, #tpu.memory_space<vmem>>
    %dma_wait3A_97 = arith.constant 0 : i32
    %dma_wait3A_98 = arith.constant 0 : i32
    %dma_wait3A_99 = tpu.memref_slice %arg2[%dma_wait3A_97, %dma_wait3A_98] : memref<2600000x64xf32, #tpu.memory_space<hbm>> -> memref<2600000x64xf32, #tpu.memory_space<hbm>>
    %dma_wait3A_100 = tpu.memref_slice %arg8[%dma_wait3A_89] : memref<4x!tpu.dma_semaphore, #tpu.memory_space<semaphore_mem>> -> memref<1x!tpu.dma_semaphore, #tpu.memory_space<semaphore_mem>>
    %dma_wait3A_101 = tpu.memref_squeeze %dma_wait3A_100 : memref<1x!tpu.dma_semaphore, #tpu.memory_space<semaphore_mem>> -> memref<!tpu.dma_semaphore, #tpu.memory_space<semaphore_mem>>
    tpu.wait_indirect_dma semaphore(%dma_wait3A_101 : memref<!tpu.dma_semaphore, #tpu.memory_space<semaphore_mem>>) src(%dma_wait3A_99 : memref<2600000x64xf32, #tpu.memory_space<hbm>>) dst(%dma_wait3A_93 : memref<128x64xf32, #tpu.memory_space<vmem>>)
    %add3A_102 = arith.constant 3200 : i32
    %add3A_103 = arith.addi %mul3A_2, %add3A_102 : i32
    %run_scoped3A_104 = arith.constant 1 : i32
    "tpu.region"() ({
      %run_scoped3A_105 = tpu.sem_alloc : memref<!tpu.dma_semaphore, #tpu.memory_space<semaphore_mem>>
      %dma_start3A_106 = arith.constant 0 : i32
      %dma_start3A_107 = arith.constant 0 : i32
      %dma_start3A_108 = tpu.memref_slice %arg7[%run_scoped3A_104, %dma_start3A_106, %dma_start3A_107] : memref<4x128x64xf32, #tpu.memory_space<vmem>> -> memref<1x128x64xf32, #tpu.memory_space<vmem>>
      %dma_start3A_109 = tpu.memref_squeeze %dma_start3A_108 : memref<1x128x64xf32, #tpu.memory_space<vmem>> -> memref<128x64xf32, #tpu.memory_space<vmem>>
      %dma_start3A_110 = arith.constant 0 : i32
      %dma_start3A_111 = tpu.memref_slice %arg4[%add3A_103, %dma_start3A_110] : memref<106496x128xf32, #tpu.memory_space<hbm>> -> memref<128x64xf32, #tpu.memory_space<hbm>>
      %dma_start3A_112 = arith.constant 0 : i32
      %dma_start3A_113 = tpu.memref_slice %arg4[%add3A_103, %dma_start3A_112] : memref<106496x128xf32, #tpu.memory_space<hbm>> -> memref<128x64xf32, #tpu.memory_space<hbm>>
      %dma_start3A_114 = arith.constant 0 : i32
      %dma_start3A_115 = arith.constant 0 : i32
      %dma_start3A_116 = tpu.memref_slice %arg7[%run_scoped3A_104, %dma_start3A_114, %dma_start3A_115] : memref<4x128x64xf32, #tpu.memory_space<vmem>> -> memref<1x128x64xf32, #tpu.memory_space<vmem>>
      %dma_start3A_117 = tpu.memref_squeeze %dma_start3A_116 : memref<1x128x64xf32, #tpu.memory_space<vmem>> -> memref<128x64xf32, #tpu.memory_space<vmem>>
      tpu.enqueue_dma source(%dma_start3A_117 : memref<128x64xf32, #tpu.memory_space<vmem>>) target(%dma_start3A_113 : memref<128x64xf32, #tpu.memory_space<hbm>>) target_semaphore(%run_scoped3A_105 : memref<!tpu.dma_semaphore, #tpu.memory_space<semaphore_mem>>)
      %dma_wait3A_118 = arith.constant 0 : i32
      %dma_wait3A_119 = arith.constant 0 : i32
      %dma_wait3A_120 = tpu.memref_slice %arg7[%run_scoped3A_104, %dma_wait3A_118, %dma_wait3A_119] : memref<4x128x64xf32, #tpu.memory_space<vmem>> -> memref<1x128x64xf32, #tpu.memory_space<vmem>>
      %dma_wait3A_121 = tpu.memref_squeeze %dma_wait3A_120 : memref<1x128x64xf32, #tpu.memory_space<vmem>> -> memref<128x64xf32, #tpu.memory_space<vmem>>
      %dma_wait3A_122 = arith.constant 0 : i32
      %dma_wait3A_123 = tpu.memref_slice %arg4[%add3A_103, %dma_wait3A_122] : memref<106496x128xf32, #tpu.memory_space<hbm>> -> memref<128x64xf32, #tpu.memory_space<hbm>>
      %dma_wait3A_124 = arith.constant 0 : i32
      %dma_wait3A_125 = tpu.memref_slice %arg4[%add3A_103, %dma_wait3A_124] : memref<106496x128xf32, #tpu.memory_space<hbm>> -> memref<128x64xf32, #tpu.memory_space<hbm>>
      %dma_wait3A_126 = arith.constant 0 : i32
      %dma_wait3A_127 = arith.constant 0 : i32
      %dma_wait3A_128 = tpu.memref_slice %arg7[%run_scoped3A_104, %dma_wait3A_126, %dma_wait3A_127] : memref<4x128x64xf32, #tpu.memory_space<vmem>> -> memref<1x128x64xf32, #tpu.memory_space<vmem>>
      %dma_wait3A_129 = tpu.memref_squeeze %dma_wait3A_128 : memref<1x128x64xf32, #tpu.memory_space<vmem>> -> memref<128x64xf32, #tpu.memory_space<vmem>>
      tpu.wait_dma2 semaphore(%run_scoped3A_105 : memref<!tpu.dma_semaphore, #tpu.memory_space<semaphore_mem>>) src(%dma_wait3A_129 : memref<128x64xf32, #tpu.memory_space<vmem>>) dst(%dma_wait3A_125 : memref<128x64xf32, #tpu.memory_space<hbm>>)
      tpu.yield
    }) : () -> ()
    return
  }
}

module attributes {stable_mosaic.version = 14 : i64} {
  func.func @_tc_body(%arg0: i32, %arg1: memref<512x13xf32, #tpu.memory_space<vmem>>, %arg2: memref<13312x128xf32, #tpu.memory_space<vmem>>, %arg3: memref<13x512xf32, #tpu.memory_space<vmem>>, %arg4: memref<1x512xf32, #tpu.memory_space<vmem>>, %arg5: memref<512x256xf32, #tpu.memory_space<vmem>>, %arg6: memref<1x256xf32, #tpu.memory_space<vmem>>, %arg7: memref<256x64xf32, #tpu.memory_space<vmem>>, %arg8: memref<1x64xf32, #tpu.memory_space<vmem>>, %arg9: memref<64x512xf32, #tpu.memory_space<vmem>>, %arg10: memref<729x512xf32, #tpu.memory_space<vmem>>, %arg11: memref<1x512xf32, #tpu.memory_space<vmem>>, %arg12: memref<512x512xf32, #tpu.memory_space<vmem>>, %arg13: memref<1x512xf32, #tpu.memory_space<vmem>>, %arg14: memref<512x256xf32, #tpu.memory_space<vmem>>, %arg15: memref<1x256xf32, #tpu.memory_space<vmem>>, %arg16: memref<256x1xf32, #tpu.memory_space<vmem>>, %arg17: memref<1x1xf32, #tpu.memory_space<vmem>>, %arg18: memref<512x1xf32, #tpu.memory_space<vmem>>) attributes {dimension_semantics = [#tpu.dimension_semantics<arbitrary>], iteration_bounds = array<i64: 8>, scalar_prefetch = 0 : i64, scratch_operands = 0 : i64, tpu.core_type = #tpu.core_type<tc>, window_params = [{transform_indices = @transform_0, window_bounds = array<i64: 512, 13>}, {transform_indices = @transform_1, window_bounds = array<i64: 13312, 128>}, {pipeline_mode = #tpu.pipeline_mode<synchronous>, transform_indices = @transform_2, window_bounds = array<i64: 13, 512>}, {pipeline_mode = #tpu.pipeline_mode<synchronous>, transform_indices = @transform_3, window_bounds = array<i64: 1, 512>}, {pipeline_mode = #tpu.pipeline_mode<synchronous>, transform_indices = @transform_4, window_bounds = array<i64: 512, 256>}, {pipeline_mode = #tpu.pipeline_mode<synchronous>, transform_indices = @transform_5, window_bounds = array<i64: 1, 256>}, {pipeline_mode = #tpu.pipeline_mode<synchronous>, transform_indices = @transform_6, window_bounds = array<i64: 256, 64>}, {pipeline_mode = #tpu.pipeline_mode<synchronous>, transform_indices = @transform_7, window_bounds = array<i64: 1, 64>}, {pipeline_mode = #tpu.pipeline_mode<synchronous>, transform_indices = @transform_8, window_bounds = array<i64: 64, 512>}, {pipeline_mode = #tpu.pipeline_mode<synchronous>, transform_indices = @transform_9, window_bounds = array<i64: 729, 512>}, {pipeline_mode = #tpu.pipeline_mode<synchronous>, transform_indices = @transform_10, window_bounds = array<i64: 1, 512>}, {pipeline_mode = #tpu.pipeline_mode<synchronous>, transform_indices = @transform_11, window_bounds = array<i64: 512, 512>}, {pipeline_mode = #tpu.pipeline_mode<synchronous>, transform_indices = @transform_12, window_bounds = array<i64: 1, 512>}, {pipeline_mode = #tpu.pipeline_mode<synchronous>, transform_indices = @transform_13, window_bounds = array<i64: 512, 256>}, {pipeline_mode = #tpu.pipeline_mode<synchronous>, transform_indices = @transform_14, window_bounds = array<i64: 1, 256>}, {pipeline_mode = #tpu.pipeline_mode<synchronous>, transform_indices = @transform_15, window_bounds = array<i64: 256, 1>}, {pipeline_mode = #tpu.pipeline_mode<synchronous>, transform_indices = @transform_16, window_bounds = array<i64: 1, 1>}, {transform_indices = @transform_17, window_bounds = array<i64: 512, 1>}]} {
    %get3A = arith.constant 0 : index
    %get3A_0 = arith.constant 0 : index
    %get3A_1 = vector.load %arg1[%get3A, %get3A_0] : memref<512x13xf32, #tpu.memory_space<vmem>>, vector<512x13xf32>
    %get3A_2 = arith.constant 0 : index
    %get3A_3 = arith.constant 0 : index
    %get3A_4 = vector.load %arg3[%get3A_2, %get3A_3] : memref<13x512xf32, #tpu.memory_space<vmem>>, vector<13x512xf32>
    %dot_general3A = arith.constant dense<0.000000e+00> : vector<512x512xf32>
    %dot_general3A_5 = tpu.matmul %get3A_1, %get3A_4, %dot_general3A {dimension_numbers = #tpu.dot_dimension_numbers<[1], [0], [0], [1], [0, 0, 1, 1], [], []>, transpose_lhs_hint = false} : vector<512x13xf32>, vector<13x512xf32>, vector<512x512xf32> -> vector<512x512xf32>
    %get3A_6 = arith.constant 0 : index
    %get3A_7 = arith.constant 0 : index
    %get3A_8 = vector.load %arg4[%get3A_6, %get3A_7] : memref<1x512xf32, #tpu.memory_space<vmem>>, vector<1x512xf32>
    %add3A = vector.broadcast %get3A_8 : vector<1x512xf32> to vector<512x512xf32>
    %add3A_9 = arith.addf %dot_general3A_5, %add3A : vector<512x512xf32>
    %max3A = arith.constant 0.000000e+00 : f32
    %max3A_10 = vector.broadcast %max3A : f32 to vector<512x512xf32>
    %max3A_11 = arith.maximumf %add3A_9, %max3A_10 : vector<512x512xf32>
    %get3A_12 = arith.constant 0 : index
    %get3A_13 = arith.constant 0 : index
    %get3A_14 = vector.load %arg5[%get3A_12, %get3A_13] : memref<512x256xf32, #tpu.memory_space<vmem>>, vector<512x256xf32>
    %dot_general3A_15 = arith.constant dense<0.000000e+00> : vector<512x256xf32>
    %dot_general3A_16 = tpu.matmul %max3A_11, %get3A_14, %dot_general3A_15 {dimension_numbers = #tpu.dot_dimension_numbers<[1], [0], [0], [1], [0, 0, 1, 1], [], []>, transpose_lhs_hint = false} : vector<512x512xf32>, vector<512x256xf32>, vector<512x256xf32> -> vector<512x256xf32>
    %get3A_17 = arith.constant 0 : index
    %get3A_18 = arith.constant 0 : index
    %get3A_19 = vector.load %arg6[%get3A_17, %get3A_18] : memref<1x256xf32, #tpu.memory_space<vmem>>, vector<1x256xf32>
    %add3A_20 = vector.broadcast %get3A_19 : vector<1x256xf32> to vector<512x256xf32>
    %add3A_21 = arith.addf %dot_general3A_16, %add3A_20 : vector<512x256xf32>
    %max3A_22 = arith.constant 0.000000e+00 : f32
    %max3A_23 = vector.broadcast %max3A_22 : f32 to vector<512x256xf32>
    %max3A_24 = arith.maximumf %add3A_21, %max3A_23 : vector<512x256xf32>
    %get3A_25 = arith.constant 0 : index
    %get3A_26 = arith.constant 0 : index
    %get3A_27 = vector.load %arg7[%get3A_25, %get3A_26] : memref<256x64xf32, #tpu.memory_space<vmem>>, vector<256x64xf32>
    %dot_general3A_28 = arith.constant dense<0.000000e+00> : vector<512x64xf32>
    %dot_general3A_29 = tpu.matmul %max3A_24, %get3A_27, %dot_general3A_28 {dimension_numbers = #tpu.dot_dimension_numbers<[1], [0], [0], [1], [0, 0, 1, 1], [], []>, transpose_lhs_hint = false} : vector<512x256xf32>, vector<256x64xf32>, vector<512x64xf32> -> vector<512x64xf32>
    %get3A_30 = arith.constant 0 : index
    %get3A_31 = arith.constant 0 : index
    %get3A_32 = vector.load %arg8[%get3A_30, %get3A_31] : memref<1x64xf32, #tpu.memory_space<vmem>>, vector<1x64xf32>
    %add3A_33 = vector.broadcast %get3A_32 : vector<1x64xf32> to vector<512x64xf32>
    %add3A_34 = arith.addf %dot_general3A_29, %add3A_33 : vector<512x64xf32>
    %max3A_35 = arith.constant 0.000000e+00 : f32
    %max3A_36 = vector.broadcast %max3A_35 : f32 to vector<512x64xf32>
    %max3A_37 = arith.maximumf %add3A_34, %max3A_36 : vector<512x64xf32>
    %get3A_38 = arith.constant 0 : index
    %get3A_39 = arith.constant 0 : index
    %get3A_40 = vector.load %arg2[%get3A_38, %get3A_39] : memref<13312x128xf32, #tpu.memory_space<vmem>>, vector<13312x128xf32>
    %reshape3A = vector.shape_cast %get3A_40 : vector<13312x128xf32> to vector<512x26x128xf32>
    %slice3A = vector.extract_strided_slice %reshape3A {offsets = [0, 0, 0], sizes = [512, 26, 64], strides = [1, 1, 1]} : vector<512x26x128xf32> to vector<512x26x64xf32>
    %broadcast_in_dim3A = vector.shape_cast %max3A_37 : vector<512x64xf32> to vector<512x1x64xf32>
    %concatenate3A = tpu.concatenate %broadcast_in_dim3A, %slice3A in 1 : vector<512x1x64xf32>, vector<512x26x64xf32> -> vector<512x27x64xf32>
    %dot_general3A_41 = arith.constant dense<0.000000e+00> : vector<512x27x27xf32>
    %dot_general3A_42 = tpu.matmul %concatenate3A, %concatenate3A, %dot_general3A_41 {dimension_numbers = #tpu.dot_dimension_numbers<[2], [2], [1], [1], [0, 0, 0, 1, 1, 1], [0], [0]>, transpose_lhs_hint = false} : vector<512x27x64xf32>, vector<512x27x64xf32>, vector<512x27x27xf32> -> vector<512x27x27xf32>
    %reshape3A_43 = vector.shape_cast %dot_general3A_42 : vector<512x27x27xf32> to vector<512x729xf32>
    %get3A_44 = arith.constant 0 : index
    %get3A_45 = arith.constant 0 : index
    %get3A_46 = vector.load %arg9[%get3A_44, %get3A_45] : memref<64x512xf32, #tpu.memory_space<vmem>>, vector<64x512xf32>
    %dot_general3A_47 = arith.constant dense<0.000000e+00> : vector<512x512xf32>
    %dot_general3A_48 = tpu.matmul %max3A_37, %get3A_46, %dot_general3A_47 {dimension_numbers = #tpu.dot_dimension_numbers<[1], [0], [0], [1], [0, 0, 1, 1], [], []>, transpose_lhs_hint = false} : vector<512x64xf32>, vector<64x512xf32>, vector<512x512xf32> -> vector<512x512xf32>
    %get3A_49 = arith.constant 0 : index
    %get3A_50 = arith.constant 0 : index
    %get3A_51 = vector.load %arg10[%get3A_49, %get3A_50] : memref<729x512xf32, #tpu.memory_space<vmem>>, vector<729x512xf32>
    %dot_general3A_52 = arith.constant dense<0.000000e+00> : vector<512x512xf32>
    %dot_general3A_53 = tpu.matmul %reshape3A_43, %get3A_51, %dot_general3A_52 {dimension_numbers = #tpu.dot_dimension_numbers<[1], [0], [0], [1], [0, 0, 1, 1], [], []>, transpose_lhs_hint = false} : vector<512x729xf32>, vector<729x512xf32>, vector<512x512xf32> -> vector<512x512xf32>
    %add3A_54 = arith.addf %dot_general3A_48, %dot_general3A_53 : vector<512x512xf32>
    %get3A_55 = arith.constant 0 : index
    %get3A_56 = arith.constant 0 : index
    %get3A_57 = vector.load %arg11[%get3A_55, %get3A_56] : memref<1x512xf32, #tpu.memory_space<vmem>>, vector<1x512xf32>
    %add3A_58 = vector.broadcast %get3A_57 : vector<1x512xf32> to vector<512x512xf32>
    %add3A_59 = arith.addf %add3A_54, %add3A_58 : vector<512x512xf32>
    %max3A_60 = arith.constant 0.000000e+00 : f32
    %max3A_61 = vector.broadcast %max3A_60 : f32 to vector<512x512xf32>
    %max3A_62 = arith.maximumf %add3A_59, %max3A_61 : vector<512x512xf32>
    %get3A_63 = arith.constant 0 : index
    %get3A_64 = arith.constant 0 : index
    %get3A_65 = vector.load %arg12[%get3A_63, %get3A_64] : memref<512x512xf32, #tpu.memory_space<vmem>>, vector<512x512xf32>
    %dot_general3A_66 = arith.constant dense<0.000000e+00> : vector<512x512xf32>
    %dot_general3A_67 = tpu.matmul %max3A_62, %get3A_65, %dot_general3A_66 {dimension_numbers = #tpu.dot_dimension_numbers<[1], [0], [0], [1], [0, 0, 1, 1], [], []>, transpose_lhs_hint = false} : vector<512x512xf32>, vector<512x512xf32>, vector<512x512xf32> -> vector<512x512xf32>
    %get3A_68 = arith.constant 0 : index
    %get3A_69 = arith.constant 0 : index
    %get3A_70 = vector.load %arg13[%get3A_68, %get3A_69] : memref<1x512xf32, #tpu.memory_space<vmem>>, vector<1x512xf32>
    %add3A_71 = vector.broadcast %get3A_70 : vector<1x512xf32> to vector<512x512xf32>
    %add3A_72 = arith.addf %dot_general3A_67, %add3A_71 : vector<512x512xf32>
    %max3A_73 = arith.constant 0.000000e+00 : f32
    %max3A_74 = vector.broadcast %max3A_73 : f32 to vector<512x512xf32>
    %max3A_75 = arith.maximumf %add3A_72, %max3A_74 : vector<512x512xf32>
    %get3A_76 = arith.constant 0 : index
    %get3A_77 = arith.constant 0 : index
    %get3A_78 = vector.load %arg14[%get3A_76, %get3A_77] : memref<512x256xf32, #tpu.memory_space<vmem>>, vector<512x256xf32>
    %dot_general3A_79 = arith.constant dense<0.000000e+00> : vector<512x256xf32>
    %dot_general3A_80 = tpu.matmul %max3A_75, %get3A_78, %dot_general3A_79 {dimension_numbers = #tpu.dot_dimension_numbers<[1], [0], [0], [1], [0, 0, 1, 1], [], []>, transpose_lhs_hint = false} : vector<512x512xf32>, vector<512x256xf32>, vector<512x256xf32> -> vector<512x256xf32>
    %get3A_81 = arith.constant 0 : index
    %get3A_82 = arith.constant 0 : index
    %get3A_83 = vector.load %arg15[%get3A_81, %get3A_82] : memref<1x256xf32, #tpu.memory_space<vmem>>, vector<1x256xf32>
    %add3A_84 = vector.broadcast %get3A_83 : vector<1x256xf32> to vector<512x256xf32>
    %add3A_85 = arith.addf %dot_general3A_80, %add3A_84 : vector<512x256xf32>
    %max3A_86 = arith.constant 0.000000e+00 : f32
    %max3A_87 = vector.broadcast %max3A_86 : f32 to vector<512x256xf32>
    %max3A_88 = arith.maximumf %add3A_85, %max3A_87 : vector<512x256xf32>
    %get3A_89 = arith.constant 0 : index
    %get3A_90 = arith.constant 0 : index
    %get3A_91 = vector.load %arg16[%get3A_89, %get3A_90] : memref<256x1xf32, #tpu.memory_space<vmem>>, vector<256x1xf32>
    %dot_general3A_92 = arith.constant dense<0.000000e+00> : vector<512x1xf32>
    %dot_general3A_93 = tpu.matmul %max3A_88, %get3A_91, %dot_general3A_92 {dimension_numbers = #tpu.dot_dimension_numbers<[1], [0], [0], [1], [0, 0, 1, 1], [], []>, transpose_lhs_hint = false} : vector<512x256xf32>, vector<256x1xf32>, vector<512x1xf32> -> vector<512x1xf32>
    %get3A_94 = arith.constant 0 : index
    %get3A_95 = arith.constant 0 : index
    %get3A_96 = vector.load %arg17[%get3A_94, %get3A_95] : memref<1x1xf32, #tpu.memory_space<vmem>>, vector<1x1xf32>
    %add3A_97 = vector.broadcast %get3A_96 : vector<1x1xf32> to vector<512x1xf32>
    %add3A_98 = arith.addf %dot_general3A_93, %add3A_97 : vector<512x1xf32>
    %swap3A = arith.constant 0 : index
    %swap3A_99 = arith.constant 0 : index
    %swap3A_100 = vector.load %arg18[%swap3A, %swap3A_99] : memref<512x1xf32, #tpu.memory_space<vmem>>, vector<512x1xf32>
    tpu.vector_store %arg18[%swap3A, %swap3A_99], %add3A_98 {strides = array<i32>} : memref<512x1xf32, #tpu.memory_space<vmem>>, vector<512x1xf32>,
    return
  }
  func.func @transform_0(%arg0: i32) -> (i32, i32) {
    %c0_i32 = arith.constant 0 : i32
    %c0_i32_0 = arith.constant 0 : i32
    return %arg0, %c0_i32 : i32, i32
  }
  func.func @transform_1(%arg0: i32) -> (i32, i32) {
    %c0_i32 = arith.constant 0 : i32
    %c0_i32_0 = arith.constant 0 : i32
    return %arg0, %c0_i32 : i32, i32
  }
  func.func @transform_2(%arg0: i32) -> (i32, i32) {
    %c0_i32 = arith.constant 0 : i32
    %c0_i32_0 = arith.constant 0 : i32
    %c0_i32_1 = arith.constant 0 : i32
    return %c0_i32, %c0_i32_0 : i32, i32
  }
  func.func @transform_3(%arg0: i32) -> (i32, i32) {
    %c0_i32 = arith.constant 0 : i32
    %c0_i32_0 = arith.constant 0 : i32
    %c0_i32_1 = arith.constant 0 : i32
    return %c0_i32, %c0_i32_0 : i32, i32
  }
  func.func @transform_4(%arg0: i32) -> (i32, i32) {
    %c0_i32 = arith.constant 0 : i32
    %c0_i32_0 = arith.constant 0 : i32
    %c0_i32_1 = arith.constant 0 : i32
    return %c0_i32, %c0_i32_0 : i32, i32
  }
  func.func @transform_5(%arg0: i32) -> (i32, i32) {
    %c0_i32 = arith.constant 0 : i32
    %c0_i32_0 = arith.constant 0 : i32
    %c0_i32_1 = arith.constant 0 : i32
    return %c0_i32, %c0_i32_0 : i32, i32
  }
  func.func @transform_6(%arg0: i32) -> (i32, i32) {
    %c0_i32 = arith.constant 0 : i32
    %c0_i32_0 = arith.constant 0 : i32
    %c0_i32_1 = arith.constant 0 : i32
    return %c0_i32, %c0_i32_0 : i32, i32
  }
  func.func @transform_7(%arg0: i32) -> (i32, i32) {
    %c0_i32 = arith.constant 0 : i32
    %c0_i32_0 = arith.constant 0 : i32
    %c0_i32_1 = arith.constant 0 : i32
    return %c0_i32, %c0_i32_0 : i32, i32
  }
  func.func @transform_8(%arg0: i32) -> (i32, i32) {
    %c0_i32 = arith.constant 0 : i32
    %c0_i32_0 = arith.constant 0 : i32
    %c0_i32_1 = arith.constant 0 : i32
    return %c0_i32, %c0_i32_0 : i32, i32
  }
  func.func @transform_9(%arg0: i32) -> (i32, i32) {
    %c0_i32 = arith.constant 0 : i32
    %c0_i32_0 = arith.constant 0 : i32
    %c0_i32_1 = arith.constant 0 : i32
    return %c0_i32, %c0_i32_0 : i32, i32
  }
  func.func @transform_10(%arg0: i32) -> (i32, i32) {
    %c0_i32 = arith.constant 0 : i32
    %c0_i32_0 = arith.constant 0 : i32
    %c0_i32_1 = arith.constant 0 : i32
    return %c0_i32, %c0_i32_0 : i32, i32
  }
  func.func @transform_11(%arg0: i32) -> (i32, i32) {
    %c0_i32 = arith.constant 0 : i32
    %c0_i32_0 = arith.constant 0 : i32
    %c0_i32_1 = arith.constant 0 : i32
    return %c0_i32, %c0_i32_0 : i32, i32
  }
  func.func @transform_12(%arg0: i32) -> (i32, i32) {
    %c0_i32 = arith.constant 0 : i32
    %c0_i32_0 = arith.constant 0 : i32
    %c0_i32_1 = arith.constant 0 : i32
    return %c0_i32, %c0_i32_0 : i32, i32
  }
  func.func @transform_13(%arg0: i32) -> (i32, i32) {
    %c0_i32 = arith.constant 0 : i32
    %c0_i32_0 = arith.constant 0 : i32
    %c0_i32_1 = arith.constant 0 : i32
    return %c0_i32, %c0_i32_0 : i32, i32
  }
  func.func @transform_14(%arg0: i32) -> (i32, i32) {
    %c0_i32 = arith.constant 0 : i32
    %c0_i32_0 = arith.constant 0 : i32
    %c0_i32_1 = arith.constant 0 : i32
    return %c0_i32, %c0_i32_0 : i32, i32
  }
  func.func @transform_15(%arg0: i32) -> (i32, i32) {
    %c0_i32 = arith.constant 0 : i32
    %c0_i32_0 = arith.constant 0 : i32
    %c0_i32_1 = arith.constant 0 : i32
    return %c0_i32, %c0_i32_0 : i32, i32
  }
  func.func @transform_16(%arg0: i32) -> (i32, i32) {
    %c0_i32 = arith.constant 0 : i32
    %c0_i32_0 = arith.constant 0 : i32
    %c0_i32_1 = arith.constant 0 : i32
    return %c0_i32, %c0_i32_0 : i32, i32
  }
  func.func @transform_17(%arg0: i32) -> (i32, i32) {
    %c0_i32 = arith.constant 0 : i32
    %c0_i32_0 = arith.constant 0 : i32
    return %arg0, %c0_i32 : i32, i32
  }
}

</mosaic_0001>

<sc_bundles>
// kernel: kernel.4.cloned.1.call-start
scs
__scs_entry_jumppad:
0x0: {  	(pc) =	sbr.rel $0x88, $3  }
0x1: {  	(tag) =	ssettag $0x0;
	lr =	simm.s32 $0x1  }
0x2: {  	[smem:$0x3F90] =	sst lr;
	_ =	strace $0xD0000000  }
0x3: {  	_ = 	snop  }
0x4: {  	_ = 	snop  }
0x5: {  	_ = 	snop  }
0x6: {  	_ = 	snop  }
0x7: {  	_ = 	snop  }
__scs_overlays_trampoline_lowered:
0x8: {  	[smem:$0x3F9F] =	sst s0  }
0x9: {  	[smem:$0x3FA0] =	sst s1  }
0xa: {  	[smem:$0x3FA1] =	sst s2  }
0xb: {  	[smem:$0x3FA2] =	sst s3  }
0xc: {  	[smem:$0x3FA3] =	sst s4  }
0xd: {  	[smem:$0x3FA4] =	sst s5  }
0xe: {  	[smem:$0x3FA5] =	sst s6  }
0xf: {  	[smem:$0x3FA6] =	sst s7  }
0x10: {  	[smem:$0x3FA7] =	sst s8  }
0x11: {  	[smem:$0x3FA8] =	sst s9;
	s0 =	simm.s32 @!p0 $0x0  }
0x12: {  	s1 =	sld [smem:$0x3F8E];
	s0 =	simm.s32 @p0 $0x1  }
0x13: {  	[smem:$0x3FA9] =	sst s0;
	s0 =	simm.s32 @!p1 $0x0  }
0x14: {  	s2 =	sld [smem:$0x3F8D];
	s0 =	simm.s32 @p1 $0x1  }
0x15: {  	[smem:$0x3FAA] =	sst s0;
	s0 =	simm.s32 @!p2 $0x0  }
0x16: {  	s3 =	sld [smem:$0x3FDB];
	s0 =	simm.s32 @p2 $0x1  }
0x17: {  	s4 =	simm.s32 $0x1BF5;
	[smem:$0x3FAC] =	sst s0  }
0x18: {  	s0 =	sld [smem:$0x3F8F];
	_ =	swait.ge [sflag:s4], $0x0  }
0x19: {  	s7 =	sld [smem:$0x3F90]  }
0x1a: {  	s8 =	sadd.s32 $0xFFFFE003, lr  }
0x1b: {  	s9 =	sadd.s32 $0xFFFFFEF7, lr;
	s5 =	simm.s32 $0xFFFFFFFF;
	p2 =	slt.u32 s8, $0xFFFFF086  }
0x1c: {  	p1 =	slt.u32 s9, $0xF7A;
	s5 =	simm.s32 @!p2 $0x0  }
0x1d: {  	s5 =	simm.s32 @p1 $0x1;
	p0 =	seq.s32 s7, s2  }
0x1e: {  	s7 =	smul.u32 @!p0 $0xF7A, s2;
	p2 =	seq.s32 @!p0 s5, $0x0  }
0x1f: {  	s9 =	smul.u32 $0xF7A, s1;
	s8 =	simm.s32 @!p0 $0x1BF5;
	p2 =	por !p2, p0  }
0x20: {  	[sflag:s8] =	ssyncset.s32 @!p0 $0xFFFFF086;
	s6 =	sadd.s32 @!p0 s3, s7;
	s7 =	simm.s32 @!p0 $0x108  }
0x21: {  	s3 =	sadd.s32 s3, s9;
	s6 =	sadd.s32 @!p0 $0x88, s6;
	s7 =	simm.s32 @p2 $0x1082  }
0x22: {  	[simem:s7], [sflag:s8] =	dma.local @!p0 [hbm:s6], $0xF7A  }
0x23: {  	s9 =	sor.u32 $0xD0000000, s2;
	s6 =	simm.s32 $0x108;
	_ =	swait.ge @!p0 [sflag:s8], $0x0  }
0x24: {  	s3 =	sadd.s32 $0x88, s3;
	s6 =	simm.s32 @!p1 $0x1082;
	[sflag:s4] =	ssyncset.s32 $0xFFFFF086  }
0x25: {  	[simem:s6], [sflag:s4] =	dma.local [hbm:s3], $0xF7A  }
0x26: {  	[smem:$0x3F90] =	sst s1;
	(tag) =	ssettag s2;
	_ =	strace s9  }
0x27: {  	s1 =	sld [smem:$0x3FA0]  }
0x28: {  	s2 =	sld [smem:$0x3FA1]  }
0x29: {  	s4 =	sld [smem:$0x3FA3]  }
0x2a: {  	p0 =	seq.s32 s5, $0x0;
	s5 =	sld [smem:$0x3FA4]  }
0x2b: {  	s6 =	sld [smem:$0x3FA5]  }
0x2c: {  	s7 =	sld [smem:$0x3FA6]  }
0x2d: {  	s3 =	simm.s32 $0x108;
	s8 =	sld [smem:$0x3FA7]  }
0x2e: {  	s3 =	simm.s32 @!p0 $0x1082;
	s9 =	sld [smem:$0x3FA8]  }
0x2f: {  	lr =	sadd.s32 s0, s3;
	s0 =	sld [smem:$0x3F9F]  }
0x30: {  	s3 =	sld [smem:$0x3FA2]  }
0x31: {  	[smem:$0x3FAB] =	sst s10  }
0x32: {  	s10 =	sld [smem:$0x3FA9];
	_ =	sdelay $0x3  }
0x33: {  	p0 =	seq.s32 s10, $0x1;
	s10 =	sld [smem:$0x3FAB];
	_ =	sdelay $0x3  }
0x34: {  	[smem:$0x3FAB] =	sst s10  }
0x35: {  	s10 =	sld [smem:$0x3FAA];
	_ =	sdelay $0x3  }
0x36: {  	p1 =	seq.s32 s10, $0x1;
	s10 =	sld [smem:$0x3FAB];
	_ =	sdelay $0x3  }
0x37: {  	[smem:$0x3FAB] =	sst s10  }
0x38: {  	s10 =	sld [smem:$0x3FAC]  }
0x39: {  	_ = 	snop;
	(pc) =	sbr.ind lr, $3  }
0x3a: {  	_ = 	snop  }
0x3b: {  	_ = 	snop  }
0x3c: {  	p2 =	seq.s32 s10, $0x1;
	s10 =	sld [smem:$0x3FAB]  }
0x3d: {  	_ =	shalt  }
0x3e: {  	_ =	shalt  }
0x3f: {  	_ =	shalt  }
0x40: {  	_ =	shalt  }
0x41: {  	_ =	shalt  }
0x42: {  	_ =	shalt  }
0x43: {  	_ =	shalt  }
0x44: {  	_ =	shalt  }
0x45: {  	_ =	shalt  }
0x46: {  	_ =	shalt  }
0x47: {  	_ =	shalt  }
0x48: {  	_ =	shalt  }
0x49: {  	_ =	shalt  }
0x4a: {  	_ =	shalt  }
0x4b: {  	_ =	shalt  }
0x4c: {  	_ =	shalt  }
0x4d: {  	_ =	shalt  }
0x4e: {  	_ =	shalt  }
0x4f: {  	_ =	shalt  }
0x50: {  	_ =	shalt  }
0x51: {  	_ =	shalt  }
0x52: {  	_ =	shalt  }
0x53: {  	_ =	shalt  }
0x54: {  	_ =	shalt  }
0x55: {  	_ =	shalt  }
0x56: {  	_ =	shalt  }
0x57: {  	_ =	shalt  }
0x58: {  	_ =	shalt  }
0x59: {  	_ =	shalt  }
0x5a: {  	_ =	shalt  }
0x5b: {  	_ =	shalt  }
0x5c: {  	_ =	shalt  }
0x5d: {  	_ =	shalt  }
0x5e: {  	_ =	shalt  }
0x5f: {  	_ =	shalt  }
0x60: {  	_ =	shalt  }
0x61: {  	_ =	shalt  }
0x62: {  	_ =	shalt  }
0x63: {  	_ =	shalt  }
0x64: {  	_ =	shalt  }
0x65: {  	_ =	shalt  }
0x66: {  	_ =	shalt  }
0x67: {  	_ =	shalt  }
0x68: {  	_ =	shalt  }
0x69: {  	_ =	shalt  }
0x6a: {  	_ =	shalt  }
0x6b: {  	_ =	shalt  }
0x6c: {  	_ =	shalt  }
0x6d: {  	_ =	shalt  }
0x6e: {  	_ =	shalt  }
0x6f: {  	_ =	shalt  }
0x70: {  	_ =	shalt  }
0x71: {  	_ =	shalt  }
0x72: {  	_ =	shalt  }
0x73: {  	_ =	shalt  }
0x74: {  	_ =	shalt  }
0x75: {  	_ =	shalt  }
0x76: {  	_ =	shalt  }
0x77: {  	_ =	shalt  }
0x78: {  	_ =	shalt  }
0x79: {  	_ =	shalt  }
0x7a: {  	_ =	shalt  }
0x7b: {  	_ =	shalt  }
0x7c: {  	_ =	shalt  }
0x7d: {  	_ =	shalt  }
0x7e: {  	_ =	shalt  }
0x7f: {  	_ =	shalt  }
0x80: {  	_ =	shalt  }
0x81: {  	_ =	shalt  }
0x82: {  	_ =	shalt  }
0x83: {  	_ =	shalt  }
0x84: {  	_ =	shalt  }
0x85: {  	_ =	shalt  }
0x86: {  	_ =	shalt  }
0x87: {  	_ =	shalt  }
.Lfunc_end0:
.L_simem_size_0:
called_computation_lowered:
.L_overlay_start_0:
0x88: {  	s2 =	sld [smem:$0x3FD9]  }
0x89: {  	s3 =	sld [smem:$0x3FFE];
	_ =	sdelay $0x1  }
0x8a: {  	s1 =	srdreg.scid  }
0x8b: {  	s0 =	sand.u32 $0x1, s1  }
0x8c: {  	s16 =	sshll.u32 s0, $0xA;
	s2 =	sadd.s32 s3, s2  }
0x8d: {  	s2 =	sadd.s32 s2, s16  }
0x8e: {  	[smem:$0x3FB7] =	sst s2  }
0x8f: {  	_ = 	snop  }
0x90: {  	(tm) =	ssettm $0x1  }
0x91: {  	s17 =	sld [smem:$0x3FFB];
	_ =	sdelay $0x3  }
0x92: {  	_ =	strace s17  }
0x93: {  	s2 =	sld [smem:$0x3FFC];
	_ =	sdelay $0x3  }
0x94: {  	_ =	strace s2  }
0x95: {  	s2 =	sld [smem:$0x3FFD];
	_ =	sdelay $0x3  }
0x96: {  	_ =	strace s2  }
0x97: {  	_ =	strace $0x8FFFFFFF  }
0x98: {  	s18 =	sld [smem:$0x3FDB];
	_ =	sdelay $0x1  }
0x99: {  	s19 =	simm.s32 $_scs_section_size  }
0x9a: {  	s4 =	simm.s32 $_size__tile_overlayer_lowered;
	s5 =	simm.s32 $_tile_overlayer_lowered  }
0x9b: {  	s22 =	simm.s32 $0x1BFF;
	s21 =	sshll.u32 s5, $0x1;
	s2 =	sadd.s32 s19, s18  }
0x9c: {  	s6 =	simm.s32 $0x0;
	s20 =	sshll.u32 s4, $0x1;
	s4 =	sadd.s32 s21, s2  }
0x9d: {  	[timem:s6], [sflag:s22] =	dma.local [hbm:s4], s20  }
0x9e: {  	_ =	swait.ge [sflag:s22], s20  }
0x9f: {  	s3 =	ssub.s32 $0x0, s20;
	[sflag:s22] =	ssyncset.done $0x0  }
0xa0: {  	[sflag:s22] =	ssyncadd.s32 s3;
	_ =	sdelay $0x1  }
0xa1: {  	s23 =	simm.s32 $0x1B8B  }
0xa2: {  	_ =	swait.ge [sflag:s23], $0x1  }
0xa3: {  	[sflag:s23] =	ssyncset.done $0x0  }
0xa4: {  	s25 =	simm.s32 $0x1B8E;
	s24 =	sld [smem:$0x3FFE];
	[sflag:s23] =	ssyncadd.s32 $0xFFFFFFFF  }
0xa5: {  	s26 =	simm.s32 $execute0_lowered;
	[smem:$0x3FD2] =	sst s25  }
0xa6: {  	s4 =	sshll.u32 s26, $0x1;
	_ =	strace $0x80000046;
	[dreg:$0x1] =	wrdreg $0xFFFFFFFF  }
0xa7: {  	s28 =	simm.s32 $_size_execute0_lowered;
	s2 =	sadd.s32 s2, s4;
	[dreg:$0x0] =	wrdreg $0x0  }
0xa8: {  	s4 =	sshll.u32 s28, $0x1;
	[dreg:$0x2] =	wrdreg s2  }
0xa9: {  	[dreg:$0x3] =	wrdreg s4  }
0xaa: {  	[dreg:$0x4] =	wrdreg $0xC0  }
0xab: {  	_ =	task [dreg:s6], $0x5FFFF  }
0xac: {  	[dreg:$0x1] =	wrdreg $0xFFFFFFFF  }
0xad: {  	[dreg:$0x0] =	wrdreg $0x60  }
0xae: {  	[dreg:$0x2] =	wrdreg s24  }
0xaf: {  	[dreg:$0x3] =	wrdreg $0x9  }
0xb0: {  	_ =	task.clear_ibuf [dreg:s6], $0x4FFFF;
	_ =	strace $0x90000046  }
0xb1: {  	s29 =	simm.s32 $0x9;
	_ =	strace $0x80000048  }
0xb2: {  	_ =	swait.ge [sflag:s29], $0x1  }
0xb3: {  	[sflag:s29] =	ssyncadd.s32 $0xFFFFFFFF  }
0xb4: {  	_ =	strace $0x90000048  }
0xb5: {  	_ =	sfence  }
0xb6: {  	s30 =	sld [smem:$0x0];
	_ =	sdelay $0x2  }
0xb7: {  	s31 =	sshll.u32 s1, $0xD;
	s1 =	sshrl.u32 s1, $0x2  }
0xb8: {  	s3 =	sand.u32 $0x4000, s31;
	s1 =	sadd.s32 s1, s30  }
0xb9: {  	s0 =	sor.u32 s3, s0;
	s1 =	sshll.u32 s1, $0x11  }
0xba: {  	s0 =	sor.u32 s1, s0  }
0xbb: {  	s0 =	sadd.s32 $0x8F2B, s0  }
0xbc: {  	[sflag:s0] =	ssyncadd.remote.s32 $0x1  }
0xbd: {  	_ =	sfence.sel $0xFFFF  }
0xbe: {  	[dreg:$0x0] =	wrdreg $0xFFFFFFFF;
	(pc) =	sbr.abs _section_cstart, $3  }
0xbf: {  	[dreg:$0x1] =	wrdreg $0xFFFFFFFF  }
0xc0: {  	_ =	task.clear_ibuf [dreg:s6], $0x2FFFF;
	_ =	strace $0x9FFFFFFF  }
0xc1: {  	(tm) =	ssettm $0x7FFFFFFF  }
tec
execute0_lowered:
.L_overlay_start_1:
0x0: {  	(tag) =	ssettag $0x1  }
0x1: {  	s0 =	srdreg.scid  }
0x2: {  	s9 =	stileid.u32;
	s1 =	rddreg [dreg:$0x0];
	s3 =	simm.s32 $0x0  }
0x3: {  	s17 =	simm.s32 $0x5;
	s18 =	simm.s32 $0x80;
	s20 =	simm.s32 $0x1A00  }
0x4: {  	s22 =	simm.s32 $0x3A00;
	s24 =	simm.s32 $0x5A00;
	s28 =	simm.s32 $0x1  }
0x5: {  	s29 =	simm.s32 $0x40;
	s30 =	simm.s32 $0x2;
	s10 =	smul.u32 $0x1A00, s9  }
0x6: {  	s31 =	simm.s32 $0x3;
	s0 =	sand.u32 $0x1, s0;
	s12 =	smul.u32 $0xD0000, s9  }
0x7: {  	s19 =	simm.s32 $0x0;
	s2 =	sshll.u32 s9, $0x1;
	s11 =	smul.u32 $0xD00, s0  }
0x8: {  	s2 =	sor.u32 s0, s2;
	s6 =	ssub.s32 $0x2, s0;
	s0 =	smul.u32 $0x68000, s0  }
0x9: {  	[smem:$0x7FF] =	sst s3;
	s3 =	sadd.s32 $0x27AE200, s1;
	s4 =	smul.u32 $0xD00, s2  }
0xa: {  	_ =	strace $0x80000047;
	s5 =	smul.u32 $0x68000, s2;
	s7 =	sshrl.u32 s6, $0x1  }
0xb: {  	s2 =	smul.u32 $0xD000, s2;
	s7 =	ssub.s32 s6, s7;
	s10 =	sadd.s32 s11, s10  }
0xc: {  	s0 =	sadd.s32 s0, s12;
	s4 =	sshrl.u32 s4, $0x3;
	s5 =	sshrl.u32 s5, $0x3  }
0xd: {  	s7 =	smax.u32 s7, $0x1;
	s0 =	sshrl.u32 s0, $0x3;
	s4 =	sadd.s32 s4, s1  }
0xe: {  	s14 =	sshll.u32 s10, $0x4;
	s1 =	sadd.s32 $0x5200, s1;
	s4 =	sadd.s32 $0x1E00, s4  }
0xf: {  	s8 =	sadd.s32 s1, s5;
	s2 =	sadd.s32 s1, s2;
	s13 =	sadd.s32 s0, s1  }
0x10: {  	s26 =	sadd.s32 s14, s1;
	s1 =	simm.s32 $0x4;
	s5 =	sadd.s32 $0xC000, s8  }
0x11: {  	s6 =	sadd.s32 $0xC800, s8;
	s8 =	sadd.s32 $0xA000, s8;
	s9 =	sadd.s32 $0xA800, s2  }
0x12: {  	s11 =	sadd.s32 $0xB000, s2;
	s12 =	sadd.s32 $0xB800, s2;
	s14 =	sadd.s32 $0x1800, s26  }
0x13: {  	v0 =	vlaneseq.u32;
	s15 =	sadd.s32 $0x1000, s26;
	s16 =	sadd.s32 $0x800, s26;
	s26 =	simm.s32 $0x7A00  }
.LBB2_1:
0x14: {  	s0 =	sadd.s32 $0x0, s10;
	s2 =	simm.s32 $0x0  }
0x15: {  	[tilespmem:s2], [sflag:$0x5] =	stream.linear.gather [hbm4b:s4+s2], $0xD00, $0x38;
	v1 =	vor.u32 s0, v0;
	[tilespmem:$0x9A00] =	vst v63  }
0x16: {  	_ =	swait.ge [sflag:s17], $0xD00;
	v2 =	vmulhi.u32 $0x4EC4EC4F, v1  }
0x17: {  	[sflag:s17] =	ssyncset.done $0x0  }
0x18: {  	[sflag:s17] =	ssyncadd.s32 $0xFFFFF300;
	v2 =	vshrl.u32 v2, $0x3  }
0x19: {  	v2 =	vmul.u32 $0x1A, v2;
	v3 =	vld [tilespmem:s29+$0xFFFFFFC0];
	_ =	sdelay $0x1  }
0x1a: {  	s21 =	sadd.s32 $0x10, s0;
	v1 =	vsub.s32 v1, v2  }
0x1b: {  	v2 =	vor.u32 s21, v0;
	v1 =	vmul.u32 $0x186A0, v1  }
0x1c: {  	v4 =	vmulhi.u32 $0x4EC4EC4F, v2  }
0x1d: {  	s21 =	simm.s32 $0xD40;
	v1 =	vadd.s32 v1, v3  }
0x1e: {  	[tilespmem:s21+$0xFFFFFFC0] =	vst v1;
	v1 =	vshrl.u32 v4, $0x3  }
0x1f: {  	v1 =	vmul.u32 $0x1A, v1;
	v3 =	vld [tilespmem:s29+$0xFFFFFFD0];
	_ =	sdelay $0x1  }
0x20: {  	s23 =	sadd.s32 $0x20, s0;
	v1 =	vsub.s32 v2, v1  }
0x21: {  	v2 =	vor.u32 s23, v0;
	v1 =	vmul.u32 $0x186A0, v1  }
0x22: {  	v58 =	vmulhi.u32 $0x4EC4EC4F, v2  }
0x23: {  	v1 =	vadd.s32 v1, v3  }
0x24: {  	[tilespmem:s21+$0xFFFFFFD0] =	vst v1;
	v1 =	vshrl.u32 v58, $0x3  }
0x25: {  	v1 =	vmul.u32 $0x1A, v1;
	v3 =	vld [tilespmem:s29+$0xFFFFFFE0];
	_ =	sdelay $0x1  }
0x26: {  	s2 =	sadd.s32 $0x30, s0;
	v1 =	vsub.s32 v2, v1  }
0x27: {  	v2 =	vor.u32 s2, v0;
	v1 =	vmul.u32 $0x186A0, v1  }
0x28: {  	v59 =	vmulhi.u32 $0x4EC4EC4F, v2  }
0x29: {  	v1 =	vadd.s32 v1, v3  }
0x2a: {  	[tilespmem:s21+$0xFFFFFFE0] =	vst v1;
	v1 =	vshrl.u32 v59, $0x3  }
0x2b: {  	v1 =	vmul.u32 $0x1A, v1;
	v3 =	vld [tilespmem:s29+$0xFFFFFFF0];
	_ =	sdelay $0x1  }
0x2c: {  	s25 =	sadd.s32 $0x40, s0;
	v1 =	vsub.s32 v2, v1  }
0x2d: {  	v2 =	vor.u32 s25, v0;
	v1 =	vmul.u32 $0x186A0, v1  }
0x2e: {  	v60 =	vmulhi.u32 $0x4EC4EC4F, v2  }
0x2f: {  	v1 =	vadd.s32 v1, v3  }
0x30: {  	[tilespmem:s21+$0xFFFFFFF0] =	vst v1;
	v1 =	vshrl.u32 v60, $0x3  }
0x31: {  	v1 =	vmul.u32 $0x1A, v1;
	v3 =	vld [tilespmem:s29+$0x0];
	_ =	sdelay $0x1  }
0x32: {  	s2 =	sadd.s32 $0x50, s0;
	v1 =	vsub.s32 v2, v1  }
0x33: {  	v2 =	vor.u32 s2, v0;
	v1 =	vmul.u32 $0x186A0, v1  }
0x34: {  	v61 =	vmulhi.u32 $0x4EC4EC4F, v2  }
0x35: {  	v1 =	vadd.s32 v1, v3  }
0x36: {  	[tilespmem:s21+$0x0] =	vst v1;
	v1 =	vshrl.u32 v61, $0x3  }
0x37: {  	v1 =	vmul.u32 $0x1A, v1;
	v3 =	vld [tilespmem:s29+$0x10];
	_ =	sdelay $0x1  }
0x38: {  	s25 =	sadd.s32 $0x60, s0;
	v1 =	vsub.s32 v2, v1  }
0x39: {  	v2 =	vor.u32 s25, v0;
	v1 =	vmul.u32 $0x186A0, v1  }
0x3a: {  	v62 =	vmulhi.u32 $0x4EC4EC4F, v2  }
0x3b: {  	v1 =	vadd.s32 v1, v3  }
0x3c: {  	[tilespmem:s21+$0x10] =	vst v1;
	v1 =	vshrl.u32 v62, $0x3  }
0x3d: {  	v1 =	vmul.u32 $0x1A, v1;
	v3 =	vld [tilespmem:s29+$0x20];
	_ =	sdelay $0x1  }
0x3e: {  	s0 =	sadd.s32 $0x70, s0;
	v1 =	vsub.s32 v2, v1  }
0x3f: {  	v63 =	vor.u32 s0, v0;
	v1 =	vmul.u32 $0x186A0, v1  }
0x40: {  	v2 =	vmulhi.u32 $0x4EC4EC4F, v63  }
0x41: {  	v1 =	vadd.s32 v1, v3  }
0x42: {  	v2 =	vshrl.u32 v2, $0x3;
	[tilespmem:s21+$0x20] =	vst v1  }
0x43: {  	v2 =	vmul.u32 $0x1A, v2;
	v1 =	vld [tilespmem:s29+$0x30];
	_ =	sdelay $0x1  }
0x44: {  	s23 =	sadd.s32 $0x80, s10;
	s0 =	simm.s32 $0x100;
	s25 =	simm.s32 $0x40;
	v2 =	vsub.s32 v63, v2  }
.LBB2_2:
0x45: {  	p0 =	sne.s32 s0, $0xC80;
	v3 =	vor.u32 s23, v0;
	v2 =	vmul.u32 $0x186A0, v2  }
0x46: {  	v4 =	vmulhi.u32 $0x4EC4EC4F, v3  }
0x47: {  	v1 =	vadd.s32 v2, v1  }
0x48: {  	s25 =	sadd.s32 $0x80, s25;
	v2 =	vshrl.u32 v4, $0x3;
	[tilespmem:s21+$0x30] =	vst v1  }
0x49: {  	v1 =	vmul.u32 $0x1A, v2;
	v2 =	vld [tilespmem:s25+$0xFFFFFFC0];
	_ =	sdelay $0x1  }
0x4a: {  	s2 =	sadd.s32 $0x10, s23;
	v1 =	vsub.s32 v3, v1  }
0x4b: {  	v3 =	vor.u32 s2, v0;
	v1 =	vmul.u32 $0x186A0, v1  }
0x4c: {  	v4 =	vmulhi.u32 $0x4EC4EC4F, v3  }
0x4d: {  	s21 =	sadd.s32 $0x80, s21;
	v1 =	vadd.s32 v1, v2  }
0x4e: {  	[tilespmem:s21+$0xFFFFFFC0] =	vst v1;
	v1 =	vshrl.u32 v4, $0x3  }
0x4f: {  	v1 =	vmul.u32 $0x1A, v1;
	v2 =	vld [tilespmem:s25+$0xFFFFFFD0];
	_ =	sdelay $0x1  }
0x50: {  	s2 =	sadd.s32 $0x20, s23;
	v1 =	vsub.s32 v3, v1  }
0x51: {  	v3 =	vor.u32 s2, v0;
	v1 =	vmul.u32 $0x186A0, v1  }
0x52: {  	v4 =	vmulhi.u32 $0x4EC4EC4F, v3  }
0x53: {  	v1 =	vadd.s32 v1, v2  }
0x54: {  	[tilespmem:s21+$0xFFFFFFD0] =	vst v1;
	v1 =	vshrl.u32 v4, $0x3  }
0x55: {  	v1 =	vmul.u32 $0x1A, v1;
	v2 =	vld [tilespmem:s25+$0xFFFFFFE0];
	_ =	sdelay $0x1  }
0x56: {  	s2 =	sadd.s32 $0x30, s23;
	v1 =	vsub.s32 v3, v1  }
0x57: {  	v3 =	vor.u32 s2, v0;
	v1 =	vmul.u32 $0x186A0, v1  }
0x58: {  	v4 =	vmulhi.u32 $0x4EC4EC4F, v3  }
0x59: {  	v1 =	vadd.s32 v1, v2  }
0x5a: {  	[tilespmem:s21+$0xFFFFFFE0] =	vst v1;
	v1 =	vshrl.u32 v4, $0x3  }
0x5b: {  	v1 =	vmul.u32 $0x1A, v1;
	v2 =	vld [tilespmem:s25+$0xFFFFFFF0];
	_ =	sdelay $0x1  }
0x5c: {  	s2 =	sadd.s32 $0x40, s23;
	v1 =	vsub.s32 v3, v1  }
0x5d: {  	v3 =	vor.u32 s2, v0;
	v1 =	vmul.u32 $0x186A0, v1  }
0x5e: {  	v4 =	vmulhi.u32 $0x4EC4EC4F, v3  }
0x5f: {  	v1 =	vadd.s32 v1, v2  }
0x60: {  	[tilespmem:s21+$0xFFFFFFF0] =	vst v1;
	v1 =	vshrl.u32 v4, $0x3  }
0x61: {  	v1 =	vmul.u32 $0x1A, v1;
	v2 =	vld [tilespmem:s25+$0x0];
	_ =	sdelay $0x1  }
0x62: {  	s2 =	sadd.s32 $0x50, s23;
	v1 =	vsub.s32 v3, v1  }
0x63: {  	v3 =	vor.u32 s2, v0;
	v1 =	vmul.u32 $0x186A0, v1  }
0x64: {  	v4 =	vmulhi.u32 $0x4EC4EC4F, v3  }
0x65: {  	v1 =	vadd.s32 v1, v2  }
0x66: {  	[tilespmem:s21+$0x0] =	vst v1;
	v1 =	vshrl.u32 v4, $0x3  }
0x67: {  	v1 =	vmul.u32 $0x1A, v1;
	v2 =	vld [tilespmem:s25+$0x10];
	_ =	sdelay $0x1  }
0x68: {  	s2 =	sadd.s32 $0x60, s23;
	v1 =	vsub.s32 v3, v1  }
0x69: {  	v3 =	vor.u32 s2, v0;
	v1 =	vmul.u32 $0x186A0, v1  }
0x6a: {  	v4 =	vmulhi.u32 $0x4EC4EC4F, v3  }
0x6b: {  	v1 =	vadd.s32 v1, v2  }
0x6c: {  	[tilespmem:s21+$0x10] =	vst v1;
	v1 =	vshrl.u32 v4, $0x3  }
0x6d: {  	v1 =	vmul.u32 $0x1A, v1;
	v2 =	vld [tilespmem:s25+$0x20];
	_ =	sdelay $0x1  }
0x6e: {  	s2 =	sadd.s32 $0x70, s23;
	v1 =	vsub.s32 v3, v1  }
0x6f: {  	v3 =	vor.u32 s2, v0;
	v1 =	vmul.u32 $0x186A0, v1  }
0x70: {  	v4 =	vmulhi.u32 $0x4EC4EC4F, v3  }
.Ltmp0:
0x71: {  	v1 =	vadd.s32 v1, v2;
	(pc) =	sbr.rel @p0 .LBB2_2-.Ltmp0, $3  }
0x72: {  	[tilespmem:s21+$0x20] =	vst v1;
	v1 =	vshrl.u32 v4, $0x3  }
0x73: {  	v2 =	vmul.u32 $0x1A, v1;
	v1 =	vld [tilespmem:s25+$0x30];
	_ =	sdelay $0x1  }
0x74: {  	s23 =	sadd.s32 s0, s10;
	s0 =	sadd.s32 $0x80, s0;
	v2 =	vsub.s32 v3, v2  }
0x75: {  	v3 =	vor.u32 s23, v0;
	v2 =	vmul.u32 $0x186A0, v2  }
0x76: {  	v4 =	vmulhi.u32 $0x4EC4EC4F, v3  }
0x77: {  	v1 =	vadd.s32 v2, v1  }
0x78: {  	s0 =	sadd.s32 $0x80, s25;
	v2 =	vshrl.u32 v4, $0x3;
	[tilespmem:s21+$0x30] =	vst v1  }
0x79: {  	v1 =	vmul.u32 $0x1A, v2;
	v2 =	vld [tilespmem:s0+$0xFFFFFFC0];
	_ =	sdelay $0x1  }
0x7a: {  	s2 =	sadd.s32 $0x10, s23;
	v1 =	vsub.s32 v3, v1  }
0x7b: {  	v3 =	vor.u32 s2, v0;
	v1 =	vmul.u32 $0x186A0, v1  }
0x7c: {  	v57 =	vmulhi.u32 $0x4EC4EC4F, v3  }
0x7d: {  	s21 =	sadd.s32 $0x80, s21;
	v1 =	vadd.s32 v1, v2  }
0x7e: {  	[tilespmem:s21+$0xFFFFFFC0] =	vst v1;
	v1 =	vshrl.u32 v57, $0x3  }
0x7f: {  	v1 =	vmul.u32 $0x1A, v1;
	v2 =	vld [tilespmem:s0+$0xFFFFFFD0];
	_ =	sdelay $0x1  }
0x80: {  	s25 =	sadd.s32 $0x20, s23;
	v1 =	vsub.s32 v3, v1  }
0x81: {  	v3 =	vor.u32 s25, v0;
	v1 =	vmul.u32 $0x186A0, v1  }
0x82: {  	v58 =	vmulhi.u32 $0x4EC4EC4F, v3  }
0x83: {  	v1 =	vadd.s32 v1, v2  }
0x84: {  	[tilespmem:s21+$0xFFFFFFD0] =	vst v1;
	v1 =	vshrl.u32 v58, $0x3  }
0x85: {  	v1 =	vmul.u32 $0x1A, v1;
	v2 =	vld [tilespmem:s0+$0xFFFFFFE0];
	_ =	sdelay $0x1  }
0x86: {  	s25 =	sadd.s32 $0x30, s23;
	v1 =	vsub.s32 v3, v1  }
0x87: {  	v3 =	vor.u32 s25, v0;
	v1 =	vmul.u32 $0x186A0, v1  }
0x88: {  	v59 =	vmulhi.u32 $0x4EC4EC4F, v3  }
0x89: {  	v1 =	vadd.s32 v1, v2  }
0x8a: {  	[tilespmem:s21+$0xFFFFFFE0] =	vst v1;
	v1 =	vshrl.u32 v59, $0x3  }
0x8b: {  	v1 =	vmul.u32 $0x1A, v1;
	v2 =	vld [tilespmem:s0+$0xFFFFFFF0];
	_ =	sdelay $0x1  }
0x8c: {  	s25 =	sadd.s32 $0x40, s23;
	v1 =	vsub.s32 v3, v1  }
0x8d: {  	v3 =	vor.u32 s25, v0;
	v1 =	vmul.u32 $0x186A0, v1  }
0x8e: {  	v60 =	vmulhi.u32 $0x4EC4EC4F, v3  }
0x8f: {  	v1 =	vadd.s32 v1, v2  }
0x90: {  	[tilespmem:s21+$0xFFFFFFF0] =	vst v1;
	v1 =	vshrl.u32 v60, $0x3  }
0x91: {  	v1 =	vmul.u32 $0x1A, v1;
	v2 =	vld [tilespmem:s0+$0x0];
	_ =	sdelay $0x1  }
0x92: {  	s25 =	sadd.s32 $0x50, s23;
	v1 =	vsub.s32 v3, v1  }
0x93: {  	v3 =	vor.u32 s25, v0;
	v1 =	vmul.u32 $0x186A0, v1  }
0x94: {  	v61 =	vmulhi.u32 $0x4EC4EC4F, v3  }
0x95: {  	v1 =	vadd.s32 v1, v2  }
0x96: {  	[tilespmem:s21+$0x0] =	vst v1;
	v1 =	vshrl.u32 v61, $0x3  }
0x97: {  	v1 =	vmul.u32 $0x1A, v1;
	v2 =	vld [tilespmem:s0+$0x10];
	_ =	sdelay $0x1  }
0x98: {  	s25 =	sadd.s32 $0x60, s23;
	v1 =	vsub.s32 v3, v1  }
0x99: {  	v3 =	vor.u32 s25, v0;
	v1 =	vmul.u32 $0x186A0, v1  }
0x9a: {  	v62 =	vmulhi.u32 $0x4EC4EC4F, v3  }
0x9b: {  	v1 =	vadd.s32 v1, v2  }
0x9c: {  	[tilespmem:s21+$0x10] =	vst v1;
	v1 =	vshrl.u32 v62, $0x3  }
0x9d: {  	v1 =	vmul.u32 $0x1A, v1;
	v2 =	vld [tilespmem:s0+$0x20];
	_ =	sdelay $0x1  }
0x9e: {  	s25 =	sadd.s32 $0x70, s23;
	v1 =	vsub.s32 v3, v1  }
0x9f: {  	v3 =	vor.u32 s25, v0;
	v1 =	vmul.u32 $0x186A0, v1  }
0xa0: {  	v63 =	vmulhi.u32 $0x4EC4EC4F, v3  }
0xa1: {  	v1 =	vadd.s32 v1, v2  }
0xa2: {  	[tilespmem:s21+$0x20] =	vst v1;
	v1 =	vshrl.u32 v63, $0x3  }
0xa3: {  	v1 =	vmul.u32 $0x1A, v1;
	v2 =	vld [tilespmem:s0+$0x30];
	_ =	sdelay $0x1  }
0xa4: {  	v1 =	vsub.s32 v3, v1  }
0xa5: {  	v1 =	vmul.u32 $0x186A0, v1;
	_ =	sdelay $0x1  }
0xa6: {  	v1 =	vadd.s32 v1, v2  }
0xa7: {  	[tilespmem:s21+$0x30] =	vst v1;
	s21 =	simm.s32 $0xD00  }
0xa8: {  	[tilespmem:s20], [sflag:$0x1] =	stream.indirect.gather [hbm4b:s3+s18], $0x40, s21, s18, $0xb8;
	[tilespmem:$0x9A00] =	vst v63  }
0xa9: {  	s23 =	simm.s32 $0xD80  }
0xaa: {  	[tilespmem:s22], [sflag:$0x2] =	stream.indirect.gather [hbm4b:s3+s18], $0x40, s23, s18, $0xb8;
	[tilespmem:$0x9A00] =	vst v63  }
0xab: {  	s25 =	simm.s32 $0xE00  }
0xac: {  	[tilespmem:s24], [sflag:$0x3] =	stream.indirect.gather [hbm4b:s3+s18], $0x40, s25, s18, $0xb8;
	[tilespmem:$0x9A00] =	vst v63  }
0xad: {  	s2 =	simm.s32 $0xE80  }
0xae: {  	[tilespmem:s26], [sflag:$0x4] =	stream.indirect.gather [hbm4b:s3+s18], $0x40, s2, s18, $0xb8;
	[tilespmem:$0x9A00] =	vst v63  }
0xaf: {  	_ =	swait.ge [sflag:s28], $0x2000  }
0xb0: {  	[sflag:s28] =	ssyncset.done $0x0  }
0xb1: {  	s21 =	sadd.s32 $0x0, s13;
	[sflag:s28] =	ssyncadd.s32 $0xFFFFE000  }
0xb2: {  	[hbm4b:s21+s29] =	stream.strided.scatter [tilespmem:s20], [sflag:$0x5], $0x2000, s18, s29, $0x38;
	[tilespmem:$0x9A00] =	vst v63  }
0xb3: {  	_ =	swait.ge [sflag:s17], $0x2000  }
0xb4: {  	[sflag:s17] =	ssyncset.done $0x0  }
0xb5: {  	s23 =	simm.s32 $0xF00;
	[sflag:s17] =	ssyncadd.s32 $0xFFFFE000  }
0xb6: {  	[tilespmem:s20], [sflag:$0x1] =	stream.indirect.gather [hbm4b:s3+s18], $0x40, s23, s18, $0xb8;
	[tilespmem:$0x9A00] =	vst v63  }
0xb7: {  	_ =	swait.ge [sflag:s30], $0x2000  }
0xb8: {  	[sflag:s30] =	ssyncset.done $0x0  }
0xb9: {  	s25 =	sadd.s32 $0x0, s16;
	[sflag:s30] =	ssyncadd.s32 $0xFFFFE000  }
0xba: {  	[hbm4b:s25+s29] =	stream.strided.scatter [tilespmem:s22], [sflag:$0x5], $0x2000, s18, s29, $0x38;
	[tilespmem:$0x9A00] =	vst v63  }
0xbb: {  	_ =	swait.ge [sflag:s17], $0x2000  }
0xbc: {  	[sflag:s17] =	ssyncset.done $0x0  }
0xbd: {  	s2 =	simm.s32 $0xF80;
	[sflag:s17] =	ssyncadd.s32 $0xFFFFE000  }
0xbe: {  	[tilespmem:s22], [sflag:$0x2] =	stream.indirect.gather [hbm4b:s3+s18], $0x40, s2, s18, $0xb8;
	[tilespmem:$0x9A00] =	vst v63  }
0xbf: {  	_ =	swait.ge [sflag:s31], $0x2000  }
0xc0: {  	[sflag:s31] =	ssyncset.done $0x0  }
0xc1: {  	s21 =	sadd.s32 $0x0, s15;
	[sflag:s31] =	ssyncadd.s32 $0xFFFFE000  }
0xc2: {  	[hbm4b:s21+s29] =	stream.strided.scatter [tilespmem:s24], [sflag:$0x5], $0x2000, s18, s29, $0x38;
	[tilespmem:$0x9A00] =	vst v63  }
0xc3: {  	_ =	swait.ge [sflag:s17], $0x2000  }
0xc4: {  	[sflag:s17] =	ssyncset.done $0x0  }
0xc5: {  	s23 =	simm.s32 $0x1000;
	[sflag:s17] =	ssyncadd.s32 $0xFFFFE000  }
0xc6: {  	[tilespmem:s24], [sflag:$0x3] =	stream.indirect.gather [hbm4b:s3+s18], $0x40, s23, s18, $0xb8;
	[tilespmem:$0x9A00] =	vst v63  }
0xc7: {  	_ =	swait.ge [sflag:s1], $0x2000  }
0xc8: {  	[sflag:s1] =	ssyncset.done $0x0  }
0xc9: {  	s25 =	sadd.s32 $0x0, s14;
	[sflag:s1] =	ssyncadd.s32 $0xFFFFE000  }
0xca: {  	[hbm4b:s25+s29] =	stream.strided.scatter [tilespmem:s26], [sflag:$0x5], $0x2000, s18, s29, $0x38;
	[tilespmem:$0x9A00] =	vst v63  }
0xcb: {  	_ =	swait.ge [sflag:s17], $0x2000  }
0xcc: {  	s0 =	simm.s32 $0x1080;
	[sflag:s17] =	ssyncset.done $0x0  }
0xcd: {  	s21 =	simm.s32 $0x2000;
	s23 =	simm.s32 $0x1280;
	[sflag:s17] =	ssyncadd.s32 $0xFFFFE000  }
.LBB2_4:
0xce: {  	[tilespmem:s26], [sflag:$0x4] =	stream.indirect.gather [hbm4b:s3+s18], $0x40, s0, s18, $0xb8;
	[tilespmem:$0x9A00] =	vst v63  }
0xcf: {  	s25 =	smov.u32 s21;
	s0 =	smov.u32 s23  }
0xd0: {  	p0 =	sne.s32 s21, $0x8000;
	s21 =	sadd.s32 $0x2000, s21;
	_ =	swait.ge [sflag:s28], $0x2000  }
0xd1: {  	[sflag:s28] =	ssyncset.done $0x0  }
0xd2: {  	s2 =	sadd.s32 s25, s13;
	[sflag:s28] =	ssyncadd.s32 $0xFFFFE000  }
0xd3: {  	[hbm4b:s2+s29] =	stream.strided.scatter [tilespmem:s20], [sflag:$0x5], $0x2000, s18, s29, $0x38;
	[tilespmem:$0x9A00] =	vst v63  }
0xd4: {  	_ =	swait.ge [sflag:s17], $0x2000  }
0xd5: {  	[sflag:s17] =	ssyncset.done $0x0  }
0xd6: {  	s2 =	sadd.s32 $0xFFFFFE80, s23;
	[sflag:s17] =	ssyncadd.s32 $0xFFFFE000  }
0xd7: {  	[tilespmem:s20], [sflag:$0x1] =	stream.indirect.gather [hbm4b:s3+s18], $0x40, s2, s18, $0xb8;
	[tilespmem:$0x9A00] =	vst v63  }
0xd8: {  	_ =	swait.ge [sflag:s30], $0x2000  }
0xd9: {  	[sflag:s30] =	ssyncset.done $0x0  }
0xda: {  	s2 =	sadd.s32 s25, s16;
	[sflag:s30] =	ssyncadd.s32 $0xFFFFE000  }
0xdb: {  	[hbm4b:s2+s29] =	stream.strided.scatter [tilespmem:s22], [sflag:$0x5], $0x2000, s18, s29, $0x38;
	[tilespmem:$0x9A00] =	vst v63  }
0xdc: {  	_ =	swait.ge [sflag:s17], $0x2000  }
0xdd: {  	[sflag:s17] =	ssyncset.done $0x0  }
0xde: {  	s2 =	sadd.s32 $0xFFFFFF00, s23;
	[sflag:s17] =	ssyncadd.s32 $0xFFFFE000  }
0xdf: {  	[tilespmem:s22], [sflag:$0x2] =	stream.indirect.gather [hbm4b:s3+s18], $0x40, s2, s18, $0xb8;
	[tilespmem:$0x9A00] =	vst v63  }
0xe0: {  	_ =	swait.ge [sflag:s31], $0x2000  }
0xe1: {  	[sflag:s31] =	ssyncset.done $0x0  }
0xe2: {  	s2 =	sadd.s32 s25, s15;
	[sflag:s31] =	ssyncadd.s32 $0xFFFFE000  }
0xe3: {  	[hbm4b:s2+s29] =	stream.strided.scatter [tilespmem:s24], [sflag:$0x5], $0x2000, s18, s29, $0x38;
	[tilespmem:$0x9A00] =	vst v63  }
0xe4: {  	_ =	swait.ge [sflag:s17], $0x2000  }
0xe5: {  	[sflag:s17] =	ssyncset.done $0x0  }
0xe6: {  	s2 =	sadd.s32 $0xFFFFFF80, s23;
	[sflag:s17] =	ssyncadd.s32 $0xFFFFE000  }
0xe7: {  	[tilespmem:s24], [sflag:$0x3] =	stream.indirect.gather [hbm4b:s3+s18], $0x40, s2, s18, $0xb8;
	[tilespmem:$0x9A00] =	vst v63  }
0xe8: {  	_ =	swait.ge [sflag:s1], $0x2000  }
0xe9: {  	[sflag:s1] =	ssyncset.done $0x0  }
.Ltmp1:
0xea: {  	s2 =	sadd.s32 s25, s14;
	[sflag:s1] =	ssyncadd.s32 $0xFFFFE000;
	(pc) =	sbr.rel @p0 .LBB2_4-.Ltmp1, $4  }
0xeb: {  	[hbm4b:s2+s29] =	stream.strided.scatter [tilespmem:s26], [sflag:$0x5], $0x2000, s18, s29, $0x38;
	[tilespmem:$0x9A00] =	vst v63  }
0xec: {  	_ =	swait.ge [sflag:s17], $0x2000  }
0xed: {  	[sflag:s17] =	ssyncset.done $0x0  }
0xee: {  	s23 =	sadd.s32 $0x200, s23;
	[sflag:s17] =	ssyncadd.s32 $0xFFFFE000  }
0xef: {  	[tilespmem:s26], [sflag:$0x4] =	stream.indirect.gather [hbm4b:s3+s18], $0x40, s0, s18, $0xb8;
	[tilespmem:$0x9A00] =	vst v63  }
0xf0: {  	_ =	swait.ge [sflag:s28], $0x2000  }
0xf1: {  	[sflag:s28] =	ssyncset.done $0x0  }
0xf2: {  	[sflag:s28] =	ssyncadd.s32 $0xFFFFE000  }
0xf3: {  	[hbm4b:s8+s29] =	stream.strided.scatter [tilespmem:s20], [sflag:$0x5], $0x2000, s18, s29, $0x38;
	[tilespmem:$0x9A00] =	vst v63  }
0xf4: {  	_ =	swait.ge [sflag:s17], $0x2000  }
0xf5: {  	[sflag:s17] =	ssyncset.done $0x0  }
0xf6: {  	s23 =	simm.s32 $0x1900;
	[sflag:s17] =	ssyncadd.s32 $0xFFFFE000  }
0xf7: {  	[tilespmem:s20], [sflag:$0x1] =	stream.indirect.gather [hbm4b:s3+s18], $0x40, s23, s18, $0xb8;
	[tilespmem:$0x9A00] =	vst v63  }
0xf8: {  	_ =	swait.ge [sflag:s30], $0x2000  }
0xf9: {  	[sflag:s30] =	ssyncset.done $0x0  }
0xfa: {  	[sflag:s30] =	ssyncadd.s32 $0xFFFFE000  }
0xfb: {  	[hbm4b:s9+s29] =	stream.strided.scatter [tilespmem:s22], [sflag:$0x5], $0x2000, s18, s29, $0x38;
	[tilespmem:$0x9A00] =	vst v63  }
0xfc: {  	_ =	swait.ge [sflag:s17], $0x2000  }
0xfd: {  	[sflag:s17] =	ssyncset.done $0x0  }
0xfe: {  	s25 =	simm.s32 $0x1980;
	[sflag:s17] =	ssyncadd.s32 $0xFFFFE000  }
0xff: {  	[tilespmem:s22], [sflag:$0x2] =	stream.indirect.gather [hbm4b:s3+s18], $0x40, s25, s18, $0xb8;
	[tilespmem:$0x9A00] =	vst v63  }
0x100: {  	_ =	swait.ge [sflag:s31], $0x2000  }
0x101: {  	[sflag:s31] =	ssyncset.done $0x0  }
0x102: {  	[sflag:s31] =	ssyncadd.s32 $0xFFFFE000  }
0x103: {  	[hbm4b:s11+s29] =	stream.strided.scatter [tilespmem:s24], [sflag:$0x5], $0x2000, s18, s29, $0x38;
	[tilespmem:$0x9A00] =	vst v63  }
0x104: {  	_ =	swait.ge [sflag:s17], $0x2000  }
0x105: {  	[sflag:s17] =	ssyncset.done $0x0  }
0x106: {  	[sflag:s17] =	ssyncadd.s32 $0xFFFFE000  }
0x107: {  	_ =	swait.ge [sflag:s1], $0x2000  }
0x108: {  	[sflag:s1] =	ssyncset.done $0x0  }
0x109: {  	[sflag:s1] =	ssyncadd.s32 $0xFFFFE000  }
0x10a: {  	[hbm4b:s12+s29] =	stream.strided.scatter [tilespmem:s26], [sflag:$0x5], $0x2000, s18, s29, $0x38;
	[tilespmem:$0x9A00] =	vst v63  }
0x10b: {  	_ =	swait.ge [sflag:s17], $0x2000  }
0x10c: {  	[sflag:s17] =	ssyncset.done $0x0  }
0x10d: {  	[sflag:s17] =	ssyncadd.s32 $0xFFFFE000  }
0x10e: {  	_ =	swait.ge [sflag:s28], $0x2000  }
0x10f: {  	[sflag:s28] =	ssyncset.done $0x0  }
0x110: {  	[sflag:s28] =	ssyncadd.s32 $0xFFFFE000  }
0x111: {  	[hbm4b:s5+s29] =	stream.strided.scatter [tilespmem:s20], [sflag:$0x5], $0x2000, s18, s29, $0x38;
	[tilespmem:$0x9A00] =	vst v63  }
0x112: {  	_ =	swait.ge [sflag:s17], $0x2000  }
0x113: {  	[sflag:s17] =	ssyncset.done $0x0  }
0x114: {  	[sflag:s17] =	ssyncadd.s32 $0xFFFFE000  }
0x115: {  	s19 =	sadd.s32 $0x1, s19;
	_ =	swait.ge [sflag:s30], $0x2000  }
0x116: {  	p0 =	sne.s32 s19, s7;
	[sflag:s30] =	ssyncset.done $0x0  }
.Ltmp2:
0x117: {  	[sflag:s30] =	ssyncadd.s32 $0xFFFFE000;
	(pc) =	sbr.rel @p0 .LBB2_1-.Ltmp2, $4  }
0x118: {  	[hbm4b:s6+s29] =	stream.strided.scatter [tilespmem:s22], [sflag:$0x5], $0x2000, s18, s29, $0x38;
	[tilespmem:$0x9A00] =	vst v63  }
0x119: {  	_ =	swait.ge [sflag:s17], $0x2000  }
0x11a: {  	[sflag:s17] =	ssyncset.done $0x0  }
0x11b: {  	[sflag:s17] =	ssyncadd.s32 $0xFFFFE000  }
0x11c: {  	_ =	sfence.sel $0x180000  }
0x11d: {  	[bflag:$0x0] =	sbarrier.arrive $0xFFFF  }
0x11e: {  	_ =	strace $0x90000047  }
0x11f: {  	s0 =	stileid.u32;
	[bflag:$0x2] =	sbarrier.arrive $0xFFFF  }
0x120: {  	p0 =	sne.s32 s0, $0x0;
	s0 =	rddreg [dreg:$0x1]  }
0x121: {  	s0 =	sadd.s32 @!p0 $0x100000, s0  }
0x122: {  	[sflag:s0] =	ssyncadd.tile.s32 @!p0 $0x1;
	_ =	shalt  }
.Lfunc_end2:
_tile_overlayer_lowered:
.L_overlay_start_2:
0x123: {  	(tag) =	ssettag $0x2  }
0x124: {  	s0 =	rddreg [dreg:$0x0];
	s2 =	stileid.u32  }
0x125: {  	s1 =	rddreg [dreg:$0x1];
	p0 =	sne.s32 s2, $0x0  }
0x126: {  	s3 =	rddreg [dreg:$0x2];
	[bflag:$0x3] =	sbarrier.arrive $0xFFFF;
	s2 =	simm.s32 @!p0 $0x1C05  }
0x127: {  	[timem:s3], [sflag:s2] =	dma.local @!p0 [hbm:s0], s1  }
0x128: {  	s0 =	simm.s32 @!p0 $0x5  }
0x129: {  	_ =	swait.ge @!p0 [sflag:s0], s1  }
0x12a: {  	s1 =	ssub.s32 @!p0 $0x0, s1;
	[sflag:s0] =	ssyncset.done @!p0 $0x0  }
0x12b: {  	[sflag:s0] =	ssyncadd.s32 @!p0 s1  }
0x12c: {  	[bflag:$0x3] =	sbarrier.arrive $0xFFFF  }
0x12d: {  	_ =	shalt  }

</sc_bundles>
